<compile_context>
chip_gen: v7x
topology: tpu7x:2x2x1
jax: 0.10.2.dev20260603
libtpu: 0.0.44.dev20260713+nightly
codegen_flags: <defaults>
</compile_context>

<pallas_src>
import functools
import math

import jax
import jax.numpy as jnp
from jax import lax
from jax.experimental import pallas as pl
from jax.experimental.pallas import tpu as pltpu
from jax.experimental.pallas import tpu_sc as plsc

D_MODEL = 128
SCALE = math.sqrt(float(D_MODEL))
NC, NS = 2, 16
NW = NC * NS
CHUNK = 128
NBUF = 4
LANES = 16


@functools.lru_cache(maxsize=None)
def _build_sc_gather(bs: int):
    nchunks_total = bs // CHUNK
    nch = nchunks_total // NW
    mesh = plsc.VectorSubcoreMesh(core_axis_name="c", subcore_axis_name="s")

    def body(idx_hbm, table_hbm, out_hbm, idx_v, *rest):
        bufs = rest[:NBUF]
        gsems = rest[NBUF:2 * NBUF]
        ssems = rest[2 * NBUF:3 * NBUF]

        wid = lax.axis_index("s") * NC + lax.axis_index("c")
        chunk0 = wid * nch
        row0 = chunk0 * CHUNK

        pltpu.sync_copy(idx_hbm.at[pl.ds(chunk0, nch)], idx_v)

        def start_gather(b, c):
            pltpu.async_copy(table_hbm.at[idx_v.at[c]], bufs[b], gsems[b])

        def wait_gather(b):
            pltpu.make_async_copy(
                table_hbm.at[idx_v.at[0]], bufs[b], gsems[b]).wait()

        def start_store(b, c):
            pltpu.async_copy(
                bufs[b], out_hbm.at[pl.ds(row0 + c * CHUNK, CHUNK)], ssems[b])

        def wait_store(b):
            pltpu.make_async_copy(
                bufs[b], out_hbm.at[pl.ds(row0, CHUNK)], ssems[b]).wait()

        for b in range(NBUF):
            start_gather(b, b)

        def ring(g, carry):
            for b in range(NBUF):
                c = g * NBUF + b
                wait_gather(b)

                def scale_row(i, carry2, b=b):
                    for j in range(D_MODEL // LANES):
                        sl = pl.ds(j * LANES, LANES)
                        bufs[b][i, sl] = bufs[b][i, sl] * SCALE
                    return carry2

                lax.fori_loop(0, CHUNK, scale_row, 0, unroll=False)
                start_store(b, c)

                @pl.when(c + NBUF < nch)
                def _(b=b, c=c):
                    wait_store(b)
                    start_gather(b, c + NBUF)
            return carry

        lax.fori_loop(0, nch // NBUF, ring, 0, unroll=False)
        for b in range(NBUF):
            wait_store(b)

    return pl.kernel(
        body,
        out_type=jax.ShapeDtypeStruct((bs, D_MODEL), jnp.float32),
        mesh=mesh,
        scratch_types=(
            [pltpu.VMEM((nch, CHUNK), jnp.int32)]
            + [pltpu.VMEM((CHUNK, D_MODEL), jnp.float32) for _ in range(NBUF)]
            + [pltpu.SemaphoreType.DMA for _ in range(2 * NBUF)]
        ),
    )


def kernel(x, table):
    b, s = x.shape
    bs = b * s
    idx2 = x.astype(jnp.int32).reshape(bs // CHUNK, CHUNK)
    out = _build_sc_gather(bs)(idx2, table)
    return out.reshape(b, s, D_MODEL)

# --- scband reference (transcript-rebuilt; emitter-appended) ---
"""Pipeline reference for scband-embeddings-34144990003740 (READ-ONLY COPY).

The authoritative reference and input builder live on the scoring server;
editing this copy changes nothing except your own understanding.
"""

import math
import jax, jax.numpy as jnp
import numpy as np

D_MODEL = 128
VOCAB = 100000
BATCH = 4096
SEQ = 200

def setup_inputs(seed: int = 0) -> dict:
    key = jax.random.key(seed)
    k1, k2 = jax.random.split(key)
    x = jax.random.randint(k1, (BATCH, SEQ), 0, VOCAB, dtype=jnp.int64 if jax.config.jax_enable_x64 else jnp.int32)
    # nn.Embedding default init: N(0, 1)
    table = jax.random.normal(k2, (VOCAB, D_MODEL), dtype=jnp.float32)
    return {"x": x, "table": table}

def reference(x, table):
    # Embedding lookup (gather) scaled by sqrt(d_model)
    emb = jnp.take(table, x, axis=0)
    return emb * math.sqrt(D_MODEL)

if __name__ == "__main__":
    import jax
    _d = setup_inputs()
    print(jax.jit(kernel)(*tuple(_d.values())))

</pallas_src>

<mosaic_0001>
#map = affine_map<(d0, d1) -> (0, 0)>
module attributes {stable_mosaic.version = 14 : i64} {
  func.func @body(%arg0: i32, %arg1: i32, %arg2: memref<6400x128xi32, #tpu.memory_space<hbm>>, %arg3: memref<100000x128xf32, #tpu.memory_space<hbm>>, %arg4: memref<819200x128xf32, #tpu.memory_space<hbm>>, %arg5: memref<200x128xi32, #tpu.memory_space<vmem>>, %arg6: memref<128x128xf32, #tpu.memory_space<vmem>>, %arg7: memref<128x128xf32, #tpu.memory_space<vmem>>, %arg8: memref<128x128xf32, #tpu.memory_space<vmem>>, %arg9: memref<128x128xf32, #tpu.memory_space<vmem>>, %arg10: memref<!tpu.dma_semaphore, #tpu.memory_space<semaphore_mem>>, %arg11: memref<!tpu.dma_semaphore, #tpu.memory_space<semaphore_mem>>, %arg12: memref<!tpu.dma_semaphore, #tpu.memory_space<semaphore_mem>>, %arg13: memref<!tpu.dma_semaphore, #tpu.memory_space<semaphore_mem>>, %arg14: memref<!tpu.dma_semaphore, #tpu.memory_space<semaphore_mem>>, %arg15: memref<!tpu.dma_semaphore, #tpu.memory_space<semaphore_mem>>, %arg16: memref<!tpu.dma_semaphore, #tpu.memory_space<semaphore_mem>>, %arg17: memref<!tpu.dma_semaphore, #tpu.memory_space<semaphore_mem>>) attributes {dimension_semantics = [#tpu.dimension_semantics<core_parallel>, #tpu.dimension_semantics<subcore_parallel>], iteration_bounds = array<i64: 2, 16>, scalar_prefetch = 0 : i64, scratch_operands = 13 : i64, tpu.core_type = #tpu.core_type<sc_vector_subcore>, window_params = [{transform_indices = #map}, {transform_indices = #map}, {transform_indices = #map}]} {
    %mul3A = arith.constant 2 : i32
    %mul3A_0 = arith.muli %arg1, %mul3A : i32
    %add3A = arith.addi %mul3A_0, %arg0 : i32
    %mul3A_1 = arith.constant 200 : i32
    %mul3A_2 = arith.muli %add3A, %mul3A_1 : i32
    %mul3A_3 = arith.constant 128 : i32
    %mul3A_4 = arith.muli %mul3A_2, %mul3A_3 : i32
    "tpu.region"() ({
      %run_scoped3A = tpu.sem_alloc : memref<!tpu.dma_semaphore, #tpu.memory_space<semaphore_mem>>
      %dma_start3A_52 = arith.constant 0 : i32
      %dma_start3A_53 = tpu.memref_slice %arg2[%mul3A_2, %dma_start3A_52] : memref<6400x128xi32, #tpu.memory_space<hbm>> -> memref<200x128xi32, #tpu.memory_space<hbm>>
      %dma_start3A_54 = arith.constant 0 : i32
      %dma_start3A_55 = tpu.memref_slice %arg2[%mul3A_2, %dma_start3A_54] : memref<6400x128xi32, #tpu.memory_space<hbm>> -> memref<200x128xi32, #tpu.memory_space<hbm>>
      tpu.enqueue_dma source(%dma_start3A_55 : memref<200x128xi32, #tpu.memory_space<hbm>>) target(%arg5 : memref<200x128xi32, #tpu.memory_space<vmem>>) target_semaphore(%run_scoped3A : memref<!tpu.dma_semaphore, #tpu.memory_space<semaphore_mem>>)
      %dma_wait3A_56 = arith.constant 0 : i32
      %dma_wait3A_57 = tpu.memref_slice %arg2[%mul3A_2, %dma_wait3A_56] : memref<6400x128xi32, #tpu.memory_space<hbm>> -> memref<200x128xi32, #tpu.memory_space<hbm>>
      %dma_wait3A_58 = arith.constant 0 : i32
      %dma_wait3A_59 = tpu.memref_slice %arg2[%mul3A_2, %dma_wait3A_58] : memref<6400x128xi32, #tpu.memory_space<hbm>> -> memref<200x128xi32, #tpu.memory_space<hbm>>
      tpu.wait_dma2 semaphore(%run_scoped3A : memref<!tpu.dma_semaphore, #tpu.memory_space<semaphore_mem>>) src(%dma_wait3A_59 : memref<200x128xi32, #tpu.memory_space<hbm>>) dst(%arg5 : memref<200x128xi32, #tpu.memory_space<vmem>>)
      tpu.yield
    }) : () -> ()
    %dma_start3A = arith.constant 0 : i32
    %dma_start3A_5 = arith.constant 0 : i32
    %dma_start3A_6 = tpu.memref_slice %arg5[%dma_start3A, %dma_start3A_5] : memref<200x128xi32, #tpu.memory_space<vmem>> -> memref<1x128xi32, #tpu.memory_space<vmem>>
    %dma_start3A_7 = tpu.memref_squeeze %dma_start3A_6 : memref<1x128xi32, #tpu.memory_space<vmem>> -> memref<128xi32, #tpu.memory_space<vmem>>
    %dma_start3A_8 = arith.constant 0 : i32
    %dma_start3A_9 = arith.constant 0 : i32
    %dma_start3A_10 = tpu.memref_slice %arg3[%dma_start3A_8, %dma_start3A_9] : memref<100000x128xf32, #tpu.memory_space<hbm>> -> memref<100000x128xf32, #tpu.memory_space<hbm>>
    tpu.enqueue_indirect_dma source(%dma_start3A_10 : memref<100000x128xf32, #tpu.memory_space<hbm>>) target(%arg6 : memref<128x128xf32, #tpu.memory_space<vmem>>) offsets(%dma_start3A_7 : memref<128xi32, #tpu.memory_space<vmem>>) semaphore(%arg10 : memref<!tpu.dma_semaphore, #tpu.memory_space<semaphore_mem>>)
    %dma_start3A_11 = arith.constant 1 : i32
    %dma_start3A_12 = arith.constant 0 : i32
    %dma_start3A_13 = tpu.memref_slice %arg5[%dma_start3A_11, %dma_start3A_12] : memref<200x128xi32, #tpu.memory_space<vmem>> -> memref<1x128xi32, #tpu.memory_space<vmem>>
    %dma_start3A_14 = tpu.memref_squeeze %dma_start3A_13 : memref<1x128xi32, #tpu.memory_space<vmem>> -> memref<128xi32, #tpu.memory_space<vmem>>
    %dma_start3A_15 = arith.constant 0 : i32
    %dma_start3A_16 = arith.constant 0 : i32
    %dma_start3A_17 = tpu.memref_slice %arg3[%dma_start3A_15, %dma_start3A_16] : memref<100000x128xf32, #tpu.memory_space<hbm>> -> memref<100000x128xf32, #tpu.memory_space<hbm>>
    tpu.enqueue_indirect_dma source(%dma_start3A_17 : memref<100000x128xf32, #tpu.memory_space<hbm>>) target(%arg7 : memref<128x128xf32, #tpu.memory_space<vmem>>) offsets(%dma_start3A_14 : memref<128xi32, #tpu.memory_space<vmem>>) semaphore(%arg11 : memref<!tpu.dma_semaphore, #tpu.memory_space<semaphore_mem>>)
    %dma_start3A_18 = arith.constant 2 : i32
    %dma_start3A_19 = arith.constant 0 : i32
    %dma_start3A_20 = tpu.memref_slice %arg5[%dma_start3A_18, %dma_start3A_19] : memref<200x128xi32, #tpu.memory_space<vmem>> -> memref<1x128xi32, #tpu.memory_space<vmem>>
    %dma_start3A_21 = tpu.memref_squeeze %dma_start3A_20 : memref<1x128xi32, #tpu.memory_space<vmem>> -> memref<128xi32, #tpu.memory_space<vmem>>
    %dma_start3A_22 = arith.constant 0 : i32
    %dma_start3A_23 = arith.constant 0 : i32
    %dma_start3A_24 = tpu.memref_slice %arg3[%dma_start3A_22, %dma_start3A_23] : memref<100000x128xf32, #tpu.memory_space<hbm>> -> memref<100000x128xf32, #tpu.memory_space<hbm>>
    tpu.enqueue_indirect_dma source(%dma_start3A_24 : memref<100000x128xf32, #tpu.memory_space<hbm>>) target(%arg8 : memref<128x128xf32, #tpu.memory_space<vmem>>) offsets(%dma_start3A_21 : memref<128xi32, #tpu.memory_space<vmem>>) semaphore(%arg12 : memref<!tpu.dma_semaphore, #tpu.memory_space<semaphore_mem>>)
    %dma_start3A_25 = arith.constant 3 : i32
    %dma_start3A_26 = arith.constant 0 : i32
    %dma_start3A_27 = tpu.memref_slice %arg5[%dma_start3A_25, %dma_start3A_26] : memref<200x128xi32, #tpu.memory_space<vmem>> -> memref<1x128xi32, #tpu.memory_space<vmem>>
    %dma_start3A_28 = tpu.memref_squeeze %dma_start3A_27 : memref<1x128xi32, #tpu.memory_space<vmem>> -> memref<128xi32, #tpu.memory_space<vmem>>
    %dma_start3A_29 = arith.constant 0 : i32
    %dma_start3A_30 = arith.constant 0 : i32
    %dma_start3A_31 = tpu.memref_slice %arg3[%dma_start3A_29, %dma_start3A_30] : memref<100000x128xf32, #tpu.memory_space<hbm>> -> memref<100000x128xf32, #tpu.memory_space<hbm>>
    tpu.enqueue_indirect_dma source(%dma_start3A_31 : memref<100000x128xf32, #tpu.memory_space<hbm>>) target(%arg9 : memref<128x128xf32, #tpu.memory_space<vmem>>) offsets(%dma_start3A_28 : memref<128xi32, #tpu.memory_space<vmem>>) semaphore(%arg13 : memref<!tpu.dma_semaphore, #tpu.memory_space<semaphore_mem>>)
    %scan3A = arith.constant 0 : i32
    %scan3A_32 = arith.constant 0 : i32
    %scan3A_33 = arith.constant 50 : i32
    %scan3A_34 = arith.addi %scan3A_32, %scan3A_33 : i32
    %scan3A_35 = arith.constant 1 : i32
    scf.for %scan3A_52 = %scan3A_32 to %scan3A_34 step %scan3A_35  : i32 {
      %mul3A_53 = arith.constant 4 : i32
      %mul3A_54 = arith.muli %scan3A_52, %mul3A_53 : i32
      %add3A_55 = arith.constant 0 : i32
      %add3A_56 = arith.addi %mul3A_54, %add3A_55 : i32
      %dma_wait3A_57 = arith.constant 0 : i32
      %dma_wait3A_58 = arith.constant 0 : i32
      %dma_wait3A_59 = tpu.memref_slice %arg5[%dma_wait3A_57, %dma_wait3A_58] : memref<200x128xi32, #tpu.memory_space<vmem>> -> memref<1x128xi32, #tpu.memory_space<vmem>>
      %dma_wait3A_60 = tpu.memref_squeeze %dma_wait3A_59 : memref<1x128xi32, #tpu.memory_space<vmem>> -> memref<128xi32, #tpu.memory_space<vmem>>
      %dma_wait3A_61 = arith.constant 0 : i32
      %dma_wait3A_62 = arith.constant 0 : i32
      %dma_wait3A_63 = tpu.memref_slice %arg3[%dma_wait3A_61, %dma_wait3A_62] : memref<100000x128xf32, #tpu.memory_space<hbm>> -> memref<100000x128xf32, #tpu.memory_space<hbm>>
      tpu.wait_indirect_dma semaphore(%arg10 : memref<!tpu.dma_semaphore, #tpu.memory_space<semaphore_mem>>) src(%dma_wait3A_63 : memref<100000x128xf32, #tpu.memory_space<hbm>>) dst(%arg6 : memref<128x128xf32, #tpu.memory_space<vmem>>)
      %scan3A_64 = arith.constant 0 : i32
      %scan3A_65 = arith.constant 0 : i32
      %scan3A_66 = arith.constant 128 : i32
      %scan3A_67 = arith.addi %scan3A_65, %scan3A_66 : i32
      %scan3A_68 = arith.constant 1 : i32
      scf.for %scan3A_174 = %scan3A_65 to %scan3A_67 step %scan3A_68  : i32 {
        %get3A = arith.index_cast %scan3A_174 : i32 to index
        %get3A_175 = arith.constant 0 : index
        %get3A_176 = tpu.vector_load %arg6[%get3A, %get3A_175] {strides = array<i32>} : memref<128x128xf32, #tpu.memory_space<vmem>>, vector<1x16xf32>,
        %get3A_177 = vector.shape_cast %get3A_176 : vector<1x16xf32> to vector<16xf32>
        %mul3A_178 = arith.constant 11.3137083 : f32
        %mul3A_179 = vector.broadcast %mul3A_178 : f32 to vector<16xf32>
        %mul3A_180 = arith.mulf %get3A_177, %mul3A_179 : vector<16xf32>
        %swap3A = arith.index_cast %scan3A_174 : i32 to index
        %swap3A_181 = arith.constant 0 : index
        %swap3A_182 = tpu.vector_load %arg6[%swap3A, %swap3A_181] {strides = array<i32>} : memref<128x128xf32, #tpu.memory_space<vmem>>, vector<1x16xf32>,
        %swap3A_183 = vector.shape_cast %swap3A_182 : vector<1x16xf32> to vector<16xf32>
        %swap3A_184 = vector.shape_cast %mul3A_180 : vector<16xf32> to vector<1x16xf32>
        tpu.vector_store %arg6[%swap3A, %swap3A_181], %swap3A_184 {strides = array<i32>} : memref<128x128xf32, #tpu.memory_space<vmem>>, vector<1x16xf32>,
        %get3A_185 = arith.index_cast %scan3A_174 : i32 to index
        %get3A_186 = arith.constant 16 : index
        %get3A_187 = tpu.vector_load %arg6[%get3A_185, %get3A_186] {strides = array<i32>} : memref<128x128xf32, #tpu.memory_space<vmem>>, vector<1x16xf32>,
        %get3A_188 = vector.shape_cast %get3A_187 : vector<1x16xf32> to vector<16xf32>
        %mul3A_189 = arith.constant 11.3137083 : f32
        %mul3A_190 = vector.broadcast %mul3A_189 : f32 to vector<16xf32>
        %mul3A_191 = arith.mulf %get3A_188, %mul3A_190 : vector<16xf32>
        %swap3A_192 = arith.index_cast %scan3A_174 : i32 to index
        %swap3A_193 = arith.constant 16 : index
        %swap3A_194 = tpu.vector_load %arg6[%swap3A_192, %swap3A_193] {strides = array<i32>} : memref<128x128xf32, #tpu.memory_space<vmem>>, vector<1x16xf32>,
        %swap3A_195 = vector.shape_cast %swap3A_194 : vector<1x16xf32> to vector<16xf32>
        %swap3A_196 = vector.shape_cast %mul3A_191 : vector<16xf32> to vector<1x16xf32>
        tpu.vector_store %arg6[%swap3A_192, %swap3A_193], %swap3A_196 {strides = array<i32>} : memref<128x128xf32, #tpu.memory_space<vmem>>, vector<1x16xf32>,
        %get3A_197 = arith.index_cast %scan3A_174 : i32 to index
        %get3A_198 = arith.constant 32 : index
        %get3A_199 = tpu.vector_load %arg6[%get3A_197, %get3A_198] {strides = array<i32>} : memref<128x128xf32, #tpu.memory_space<vmem>>, vector<1x16xf32>,
        %get3A_200 = vector.shape_cast %get3A_199 : vector<1x16xf32> to vector<16xf32>
        %mul3A_201 = arith.constant 11.3137083 : f32
        %mul3A_202 = vector.broadcast %mul3A_201 : f32 to vector<16xf32>
        %mul3A_203 = arith.mulf %get3A_200, %mul3A_202 : vector<16xf32>
        %swap3A_204 = arith.index_cast %scan3A_174 : i32 to index
        %swap3A_205 = arith.constant 32 : index
        %swap3A_206 = tpu.vector_load %arg6[%swap3A_204, %swap3A_205] {strides = array<i32>} : memref<128x128xf32, #tpu.memory_space<vmem>>, vector<1x16xf32>,
        %swap3A_207 = vector.shape_cast %swap3A_206 : vector<1x16xf32> to vector<16xf32>
        %swap3A_208 = vector.shape_cast %mul3A_203 : vector<16xf32> to vector<1x16xf32>
        tpu.vector_store %arg6[%swap3A_204, %swap3A_205], %swap3A_208 {strides = array<i32>} : memref<128x128xf32, #tpu.memory_space<vmem>>, vector<1x16xf32>,
        %get3A_209 = arith.index_cast %scan3A_174 : i32 to index
        %get3A_210 = arith.constant 48 : index
        %get3A_211 = tpu.vector_load %arg6[%get3A_209, %get3A_210] {strides = array<i32>} : memref<128x128xf32, #tpu.memory_space<vmem>>, vector<1x16xf32>,
        %get3A_212 = vector.shape_cast %get3A_211 : vector<1x16xf32> to vector<16xf32>
        %mul3A_213 = arith.constant 11.3137083 : f32
        %mul3A_214 = vector.broadcast %mul3A_213 : f32 to vector<16xf32>
        %mul3A_215 = arith.mulf %get3A_212, %mul3A_214 : vector<16xf32>
        %swap3A_216 = arith.index_cast %scan3A_174 : i32 to index
        %swap3A_217 = arith.constant 48 : index
        %swap3A_218 = tpu.vector_load %arg6[%swap3A_216, %swap3A_217] {strides = array<i32>} : memref<128x128xf32, #tpu.memory_space<vmem>>, vector<1x16xf32>,
        %swap3A_219 = vector.shape_cast %swap3A_218 : vector<1x16xf32> to vector<16xf32>
        %swap3A_220 = vector.shape_cast %mul3A_215 : vector<16xf32> to vector<1x16xf32>
        tpu.vector_store %arg6[%swap3A_216, %swap3A_217], %swap3A_220 {strides = array<i32>} : memref<128x128xf32, #tpu.memory_space<vmem>>, vector<1x16xf32>,
        %get3A_221 = arith.index_cast %scan3A_174 : i32 to index
        %get3A_222 = arith.constant 64 : index
        %get3A_223 = tpu.vector_load %arg6[%get3A_221, %get3A_222] {strides = array<i32>} : memref<128x128xf32, #tpu.memory_space<vmem>>, vector<1x16xf32>,
        %get3A_224 = vector.shape_cast %get3A_223 : vector<1x16xf32> to vector<16xf32>
        %mul3A_225 = arith.constant 11.3137083 : f32
        %mul3A_226 = vector.broadcast %mul3A_225 : f32 to vector<16xf32>
        %mul3A_227 = arith.mulf %get3A_224, %mul3A_226 : vector<16xf32>
        %swap3A_228 = arith.index_cast %scan3A_174 : i32 to index
        %swap3A_229 = arith.constant 64 : index
        %swap3A_230 = tpu.vector_load %arg6[%swap3A_228, %swap3A_229] {strides = array<i32>} : memref<128x128xf32, #tpu.memory_space<vmem>>, vector<1x16xf32>,
        %swap3A_231 = vector.shape_cast %swap3A_230 : vector<1x16xf32> to vector<16xf32>
        %swap3A_232 = vector.shape_cast %mul3A_227 : vector<16xf32> to vector<1x16xf32>
        tpu.vector_store %arg6[%swap3A_228, %swap3A_229], %swap3A_232 {strides = array<i32>} : memref<128x128xf32, #tpu.memory_space<vmem>>, vector<1x16xf32>,
        %get3A_233 = arith.index_cast %scan3A_174 : i32 to index
        %get3A_234 = arith.constant 80 : index
        %get3A_235 = tpu.vector_load %arg6[%get3A_233, %get3A_234] {strides = array<i32>} : memref<128x128xf32, #tpu.memory_space<vmem>>, vector<1x16xf32>,
        %get3A_236 = vector.shape_cast %get3A_235 : vector<1x16xf32> to vector<16xf32>
        %mul3A_237 = arith.constant 11.3137083 : f32
        %mul3A_238 = vector.broadcast %mul3A_237 : f32 to vector<16xf32>
        %mul3A_239 = arith.mulf %get3A_236, %mul3A_238 : vector<16xf32>
        %swap3A_240 = arith.index_cast %scan3A_174 : i32 to index
        %swap3A_241 = arith.constant 80 : index
        %swap3A_242 = tpu.vector_load %arg6[%swap3A_240, %swap3A_241] {strides = array<i32>} : memref<128x128xf32, #tpu.memory_space<vmem>>, vector<1x16xf32>,
        %swap3A_243 = vector.shape_cast %swap3A_242 : vector<1x16xf32> to vector<16xf32>
        %swap3A_244 = vector.shape_cast %mul3A_239 : vector<16xf32> to vector<1x16xf32>
        tpu.vector_store %arg6[%swap3A_240, %swap3A_241], %swap3A_244 {strides = array<i32>} : memref<128x128xf32, #tpu.memory_space<vmem>>, vector<1x16xf32>,
        %get3A_245 = arith.index_cast %scan3A_174 : i32 to index
        %get3A_246 = arith.constant 96 : index
        %get3A_247 = tpu.vector_load %arg6[%get3A_245, %get3A_246] {strides = array<i32>} : memref<128x128xf32, #tpu.memory_space<vmem>>, vector<1x16xf32>,
        %get3A_248 = vector.shape_cast %get3A_247 : vector<1x16xf32> to vector<16xf32>
        %mul3A_249 = arith.constant 11.3137083 : f32
        %mul3A_250 = vector.broadcast %mul3A_249 : f32 to vector<16xf32>
        %mul3A_251 = arith.mulf %get3A_248, %mul3A_250 : vector<16xf32>
        %swap3A_252 = arith.index_cast %scan3A_174 : i32 to index
        %swap3A_253 = arith.constant 96 : index
        %swap3A_254 = tpu.vector_load %arg6[%swap3A_252, %swap3A_253] {strides = array<i32>} : memref<128x128xf32, #tpu.memory_space<vmem>>, vector<1x16xf32>,
        %swap3A_255 = vector.shape_cast %swap3A_254 : vector<1x16xf32> to vector<16xf32>
        %swap3A_256 = vector.shape_cast %mul3A_251 : vector<16xf32> to vector<1x16xf32>
        tpu.vector_store %arg6[%swap3A_252, %swap3A_253], %swap3A_256 {strides = array<i32>} : memref<128x128xf32, #tpu.memory_space<vmem>>, vector<1x16xf32>,
        %get3A_257 = arith.index_cast %scan3A_174 : i32 to index
        %get3A_258 = arith.constant 112 : index
        %get3A_259 = tpu.vector_load %arg6[%get3A_257, %get3A_258] {strides = array<i32>} : memref<128x128xf32, #tpu.memory_space<vmem>>, vector<1x16xf32>,
        %get3A_260 = vector.shape_cast %get3A_259 : vector<1x16xf32> to vector<16xf32>
        %mul3A_261 = arith.constant 11.3137083 : f32
        %mul3A_262 = vector.broadcast %mul3A_261 : f32 to vector<16xf32>
        %mul3A_263 = arith.mulf %get3A_260, %mul3A_262 : vector<16xf32>
        %swap3A_264 = arith.index_cast %scan3A_174 : i32 to index
        %swap3A_265 = arith.constant 112 : index
        %swap3A_266 = tpu.vector_load %arg6[%swap3A_264, %swap3A_265] {strides = array<i32>} : memref<128x128xf32, #tpu.memory_space<vmem>>, vector<1x16xf32>,
        %swap3A_267 = vector.shape_cast %swap3A_266 : vector<1x16xf32> to vector<16xf32>
        %swap3A_268 = vector.shape_cast %mul3A_263 : vector<16xf32> to vector<1x16xf32>
        tpu.vector_store %arg6[%swap3A_264, %swap3A_265], %swap3A_268 {strides = array<i32>} : memref<128x128xf32, #tpu.memory_space<vmem>>, vector<1x16xf32>,
      }
      %scan3A_69 = arith.constant 128 : i32
      %mul3A_70 = arith.constant 128 : i32
      %mul3A_71 = arith.muli %add3A_56, %mul3A_70 : i32
      %add3A_72 = arith.addi %mul3A_4, %mul3A_71 : i32
      %dma_start3A_73 = arith.constant 0 : i32
      %dma_start3A_74 = tpu.memref_slice %arg4[%add3A_72, %dma_start3A_73] : memref<819200x128xf32, #tpu.memory_space<hbm>> -> memref<128x128xf32, #tpu.memory_space<hbm>>
      %dma_start3A_75 = arith.constant 0 : i32
      %dma_start3A_76 = tpu.memref_slice %arg4[%add3A_72, %dma_start3A_75] : memref<819200x128xf32, #tpu.memory_space<hbm>> -> memref<128x128xf32, #tpu.memory_space<hbm>>
      tpu.enqueue_dma source(%arg6 : memref<128x128xf32, #tpu.memory_space<vmem>>) target(%dma_start3A_76 : memref<128x128xf32, #tpu.memory_space<hbm>>) target_semaphore(%arg14 : memref<!tpu.dma_semaphore, #tpu.memory_space<semaphore_mem>>)
      %add3A_77 = arith.constant 4 : i32
      %add3A_78 = arith.addi %add3A_56, %add3A_77 : i32
      %lt3A = arith.constant 200 : i32
      %lt3A_79 = arith.cmpi slt, %add3A_78, %lt3A : i32
      %convert_element_type3A = arith.extui %lt3A_79 : i1 to i32
      %cond3A = arith.constant 0 : i32
      %cond3A_80 = arith.cmpi ne, %convert_element_type3A, %cond3A : i32
      scf.if %cond3A_80 {
        %dma_wait3A_174 = arith.constant 0 : i32
        %dma_wait3A_175 = tpu.memref_slice %arg4[%mul3A_4, %dma_wait3A_174] : memref<819200x128xf32, #tpu.memory_space<hbm>> -> memref<128x128xf32, #tpu.memory_space<hbm>>
        %dma_wait3A_176 = arith.constant 0 : i32
        %dma_wait3A_177 = tpu.memref_slice %arg4[%mul3A_4, %dma_wait3A_176] : memref<819200x128xf32, #tpu.memory_space<hbm>> -> memref<128x128xf32, #tpu.memory_space<hbm>>
        tpu.wait_dma2 semaphore(%arg14 : memref<!tpu.dma_semaphore, #tpu.memory_space<semaphore_mem>>) src(%arg6 : memref<128x128xf32, #tpu.memory_space<vmem>>) dst(%dma_wait3A_177 : memref<128x128xf32, #tpu.memory_space<hbm>>)
        %add3A_178 = arith.constant 4 : i32
        %add3A_179 = arith.addi %add3A_56, %add3A_178 : i32
        %dma_start3A_180 = arith.constant 0 : i32
        %dma_start3A_181 = tpu.memref_slice %arg5[%add3A_179, %dma_start3A_180] : memref<200x128xi32, #tpu.memory_space<vmem>> -> memref<1x128xi32, #tpu.memory_space<vmem>>
        %dma_start3A_182 = tpu.memref_squeeze %dma_start3A_181 : memref<1x128xi32, #tpu.memory_space<vmem>> -> memref<128xi32, #tpu.memory_space<vmem>>
        %dma_start3A_183 = arith.constant 0 : i32
        %dma_start3A_184 = arith.constant 0 : i32
        %dma_start3A_185 = tpu.memref_slice %arg3[%dma_start3A_183, %dma_start3A_184] : memref<100000x128xf32, #tpu.memory_space<hbm>> -> memref<100000x128xf32, #tpu.memory_space<hbm>>
        tpu.enqueue_indirect_dma source(%dma_start3A_185 : memref<100000x128xf32, #tpu.memory_space<hbm>>) target(%arg6 : memref<128x128xf32, #tpu.memory_space<vmem>>) offsets(%dma_start3A_182 : memref<128xi32, #tpu.memory_space<vmem>>) semaphore(%arg10 : memref<!tpu.dma_semaphore, #tpu.memory_space<semaphore_mem>>)
      } else {
      }
      %mul3A_81 = arith.constant 4 : i32
      %mul3A_82 = arith.muli %scan3A_52, %mul3A_81 : i32
      %add3A_83 = arith.constant 1 : i32
      %add3A_84 = arith.addi %mul3A_82, %add3A_83 : i32
      %dma_wait3A_85 = arith.constant 0 : i32
      %dma_wait3A_86 = arith.constant 0 : i32
      %dma_wait3A_87 = tpu.memref_slice %arg5[%dma_wait3A_85, %dma_wait3A_86] : memref<200x128xi32, #tpu.memory_space<vmem>> -> memref<1x128xi32, #tpu.memory_space<vmem>>
      %dma_wait3A_88 = tpu.memref_squeeze %dma_wait3A_87 : memref<1x128xi32, #tpu.memory_space<vmem>> -> memref<128xi32, #tpu.memory_space<vmem>>
      %dma_wait3A_89 = arith.constant 0 : i32
      %dma_wait3A_90 = arith.constant 0 : i32
      %dma_wait3A_91 = tpu.memref_slice %arg3[%dma_wait3A_89, %dma_wait3A_90] : memref<100000x128xf32, #tpu.memory_space<hbm>> -> memref<100000x128xf32, #tpu.memory_space<hbm>>
      tpu.wait_indirect_dma semaphore(%arg11 : memref<!tpu.dma_semaphore, #tpu.memory_space<semaphore_mem>>) src(%dma_wait3A_91 : memref<100000x128xf32, #tpu.memory_space<hbm>>) dst(%arg7 : memref<128x128xf32, #tpu.memory_space<vmem>>)
      %scan3A_92 = arith.constant 0 : i32
      %scan3A_93 = arith.constant 0 : i32
      %scan3A_94 = arith.constant 128 : i32
      %scan3A_95 = arith.addi %scan3A_93, %scan3A_94 : i32
      %scan3A_96 = arith.constant 1 : i32
      scf.for %scan3A_174 = %scan3A_93 to %scan3A_95 step %scan3A_96  : i32 {
        %get3A = arith.index_cast %scan3A_174 : i32 to index
        %get3A_175 = arith.constant 0 : index
        %get3A_176 = tpu.vector_load %arg7[%get3A, %get3A_175] {strides = array<i32>} : memref<128x128xf32, #tpu.memory_space<vmem>>, vector<1x16xf32>,
        %get3A_177 = vector.shape_cast %get3A_176 : vector<1x16xf32> to vector<16xf32>
        %mul3A_178 = arith.constant 11.3137083 : f32
        %mul3A_179 = vector.broadcast %mul3A_178 : f32 to vector<16xf32>
        %mul3A_180 = arith.mulf %get3A_177, %mul3A_179 : vector<16xf32>
        %swap3A = arith.index_cast %scan3A_174 : i32 to index
        %swap3A_181 = arith.constant 0 : index
        %swap3A_182 = tpu.vector_load %arg7[%swap3A, %swap3A_181] {strides = array<i32>} : memref<128x128xf32, #tpu.memory_space<vmem>>, vector<1x16xf32>,
        %swap3A_183 = vector.shape_cast %swap3A_182 : vector<1x16xf32> to vector<16xf32>
        %swap3A_184 = vector.shape_cast %mul3A_180 : vector<16xf32> to vector<1x16xf32>
        tpu.vector_store %arg7[%swap3A, %swap3A_181], %swap3A_184 {strides = array<i32>} : memref<128x128xf32, #tpu.memory_space<vmem>>, vector<1x16xf32>,
        %get3A_185 = arith.index_cast %scan3A_174 : i32 to index
        %get3A_186 = arith.constant 16 : index
        %get3A_187 = tpu.vector_load %arg7[%get3A_185, %get3A_186] {strides = array<i32>} : memref<128x128xf32, #tpu.memory_space<vmem>>, vector<1x16xf32>,
        %get3A_188 = vector.shape_cast %get3A_187 : vector<1x16xf32> to vector<16xf32>
        %mul3A_189 = arith.constant 11.3137083 : f32
        %mul3A_190 = vector.broadcast %mul3A_189 : f32 to vector<16xf32>
        %mul3A_191 = arith.mulf %get3A_188, %mul3A_190 : vector<16xf32>
        %swap3A_192 = arith.index_cast %scan3A_174 : i32 to index
        %swap3A_193 = arith.constant 16 : index
        %swap3A_194 = tpu.vector_load %arg7[%swap3A_192, %swap3A_193] {strides = array<i32>} : memref<128x128xf32, #tpu.memory_space<vmem>>, vector<1x16xf32>,
        %swap3A_195 = vector.shape_cast %swap3A_194 : vector<1x16xf32> to vector<16xf32>
        %swap3A_196 = vector.shape_cast %mul3A_191 : vector<16xf32> to vector<1x16xf32>
        tpu.vector_store %arg7[%swap3A_192, %swap3A_193], %swap3A_196 {strides = array<i32>} : memref<128x128xf32, #tpu.memory_space<vmem>>, vector<1x16xf32>,
        %get3A_197 = arith.index_cast %scan3A_174 : i32 to index
        %get3A_198 = arith.constant 32 : index
        %get3A_199 = tpu.vector_load %arg7[%get3A_197, %get3A_198] {strides = array<i32>} : memref<128x128xf32, #tpu.memory_space<vmem>>, vector<1x16xf32>,
        %get3A_200 = vector.shape_cast %get3A_199 : vector<1x16xf32> to vector<16xf32>
        %mul3A_201 = arith.constant 11.3137083 : f32
        %mul3A_202 = vector.broadcast %mul3A_201 : f32 to vector<16xf32>
        %mul3A_203 = arith.mulf %get3A_200, %mul3A_202 : vector<16xf32>
        %swap3A_204 = arith.index_cast %scan3A_174 : i32 to index
        %swap3A_205 = arith.constant 32 : index
        %swap3A_206 = tpu.vector_load %arg7[%swap3A_204, %swap3A_205] {strides = array<i32>} : memref<128x128xf32, #tpu.memory_space<vmem>>, vector<1x16xf32>,
        %swap3A_207 = vector.shape_cast %swap3A_206 : vector<1x16xf32> to vector<16xf32>
        %swap3A_208 = vector.shape_cast %mul3A_203 : vector<16xf32> to vector<1x16xf32>
        tpu.vector_store %arg7[%swap3A_204, %swap3A_205], %swap3A_208 {strides = array<i32>} : memref<128x128xf32, #tpu.memory_space<vmem>>, vector<1x16xf32>,
        %get3A_209 = arith.index_cast %scan3A_174 : i32 to index
        %get3A_210 = arith.constant 48 : index
        %get3A_211 = tpu.vector_load %arg7[%get3A_209, %get3A_210] {strides = array<i32>} : memref<128x128xf32, #tpu.memory_space<vmem>>, vector<1x16xf32>,
        %get3A_212 = vector.shape_cast %get3A_211 : vector<1x16xf32> to vector<16xf32>
        %mul3A_213 = arith.constant 11.3137083 : f32
        %mul3A_214 = vector.broadcast %mul3A_213 : f32 to vector<16xf32>
        %mul3A_215 = arith.mulf %get3A_212, %mul3A_214 : vector<16xf32>
        %swap3A_216 = arith.index_cast %scan3A_174 : i32 to index
        %swap3A_217 = arith.constant 48 : index
        %swap3A_218 = tpu.vector_load %arg7[%swap3A_216, %swap3A_217] {strides = array<i32>} : memref<128x128xf32, #tpu.memory_space<vmem>>, vector<1x16xf32>,
        %swap3A_219 = vector.shape_cast %swap3A_218 : vector<1x16xf32> to vector<16xf32>
        %swap3A_220 = vector.shape_cast %mul3A_215 : vector<16xf32> to vector<1x16xf32>
        tpu.vector_store %arg7[%swap3A_216, %swap3A_217], %swap3A_220 {strides = array<i32>} : memref<128x128xf32, #tpu.memory_space<vmem>>, vector<1x16xf32>,
        %get3A_221 = arith.index_cast %scan3A_174 : i32 to index
        %get3A_222 = arith.constant 64 : index
        %get3A_223 = tpu.vector_load %arg7[%get3A_221, %get3A_222] {strides = array<i32>} : memref<128x128xf32, #tpu.memory_space<vmem>>, vector<1x16xf32>,
        %get3A_224 = vector.shape_cast %get3A_223 : vector<1x16xf32> to vector<16xf32>
        %mul3A_225 = arith.constant 11.3137083 : f32
        %mul3A_226 = vector.broadcast %mul3A_225 : f32 to vector<16xf32>
        %mul3A_227 = arith.mulf %get3A_224, %mul3A_226 : vector<16xf32>
        %swap3A_228 = arith.index_cast %scan3A_174 : i32 to index
        %swap3A_229 = arith.constant 64 : index
        %swap3A_230 = tpu.vector_load %arg7[%swap3A_228, %swap3A_229] {strides = array<i32>} : memref<128x128xf32, #tpu.memory_space<vmem>>, vector<1x16xf32>,
        %swap3A_231 = vector.shape_cast %swap3A_230 : vector<1x16xf32> to vector<16xf32>
        %swap3A_232 = vector.shape_cast %mul3A_227 : vector<16xf32> to vector<1x16xf32>
        tpu.vector_store %arg7[%swap3A_228, %swap3A_229], %swap3A_232 {strides = array<i32>} : memref<128x128xf32, #tpu.memory_space<vmem>>, vector<1x16xf32>,
        %get3A_233 = arith.index_cast %scan3A_174 : i32 to index
        %get3A_234 = arith.constant 80 : index
        %get3A_235 = tpu.vector_load %arg7[%get3A_233, %get3A_234] {strides = array<i32>} : memref<128x128xf32, #tpu.memory_space<vmem>>, vector<1x16xf32>,
        %get3A_236 = vector.shape_cast %get3A_235 : vector<1x16xf32> to vector<16xf32>
        %mul3A_237 = arith.constant 11.3137083 : f32
        %mul3A_238 = vector.broadcast %mul3A_237 : f32 to vector<16xf32>
        %mul3A_239 = arith.mulf %get3A_236, %mul3A_238 : vector<16xf32>
        %swap3A_240 = arith.index_cast %scan3A_174 : i32 to index
        %swap3A_241 = arith.constant 80 : index
        %swap3A_242 = tpu.vector_load %arg7[%swap3A_240, %swap3A_241] {strides = array<i32>} : memref<128x128xf32, #tpu.memory_space<vmem>>, vector<1x16xf32>,
        %swap3A_243 = vector.shape_cast %swap3A_242 : vector<1x16xf32> to vector<16xf32>
        %swap3A_244 = vector.shape_cast %mul3A_239 : vector<16xf32> to vector<1x16xf32>
        tpu.vector_store %arg7[%swap3A_240, %swap3A_241], %swap3A_244 {strides = array<i32>} : memref<128x128xf32, #tpu.memory_space<vmem>>, vector<1x16xf32>,
        %get3A_245 = arith.index_cast %scan3A_174 : i32 to index
        %get3A_246 = arith.constant 96 : index
        %get3A_247 = tpu.vector_load %arg7[%get3A_245, %get3A_246] {strides = array<i32>} : memref<128x128xf32, #tpu.memory_space<vmem>>, vector<1x16xf32>,
        %get3A_248 = vector.shape_cast %get3A_247 : vector<1x16xf32> to vector<16xf32>
        %mul3A_249 = arith.constant 11.3137083 : f32
        %mul3A_250 = vector.broadcast %mul3A_249 : f32 to vector<16xf32>
        %mul3A_251 = arith.mulf %get3A_248, %mul3A_250 : vector<16xf32>
        %swap3A_252 = arith.index_cast %scan3A_174 : i32 to index
        %swap3A_253 = arith.constant 96 : index
        %swap3A_254 = tpu.vector_load %arg7[%swap3A_252, %swap3A_253] {strides = array<i32>} : memref<128x128xf32, #tpu.memory_space<vmem>>, vector<1x16xf32>,
        %swap3A_255 = vector.shape_cast %swap3A_254 : vector<1x16xf32> to vector<16xf32>
        %swap3A_256 = vector.shape_cast %mul3A_251 : vector<16xf32> to vector<1x16xf32>
        tpu.vector_store %arg7[%swap3A_252, %swap3A_253], %swap3A_256 {strides = array<i32>} : memref<128x128xf32, #tpu.memory_space<vmem>>, vector<1x16xf32>,
        %get3A_257 = arith.index_cast %scan3A_174 : i32 to index
        %get3A_258 = arith.constant 112 : index
        %get3A_259 = tpu.vector_load %arg7[%get3A_257, %get3A_258] {strides = array<i32>} : memref<128x128xf32, #tpu.memory_space<vmem>>, vector<1x16xf32>,
        %get3A_260 = vector.shape_cast %get3A_259 : vector<1x16xf32> to vector<16xf32>
        %mul3A_261 = arith.constant 11.3137083 : f32
        %mul3A_262 = vector.broadcast %mul3A_261 : f32 to vector<16xf32>
        %mul3A_263 = arith.mulf %get3A_260, %mul3A_262 : vector<16xf32>
        %swap3A_264 = arith.index_cast %scan3A_174 : i32 to index
        %swap3A_265 = arith.constant 112 : index
        %swap3A_266 = tpu.vector_load %arg7[%swap3A_264, %swap3A_265] {strides = array<i32>} : memref<128x128xf32, #tpu.memory_space<vmem>>, vector<1x16xf32>,
        %swap3A_267 = vector.shape_cast %swap3A_266 : vector<1x16xf32> to vector<16xf32>
        %swap3A_268 = vector.shape_cast %mul3A_263 : vector<16xf32> to vector<1x16xf32>
        tpu.vector_store %arg7[%swap3A_264, %swap3A_265], %swap3A_268 {strides = array<i32>} : memref<128x128xf32, #tpu.memory_space<vmem>>, vector<1x16xf32>,
      }
      %scan3A_97 = arith.constant 128 : i32
      %mul3A_98 = arith.constant 128 : i32
      %mul3A_99 = arith.muli %add3A_84, %mul3A_98 : i32
      %add3A_100 = arith.addi %mul3A_4, %mul3A_99 : i32
      %dma_start3A_101 = arith.constant 0 : i32
      %dma_start3A_102 = tpu.memref_slice %arg4[%add3A_100, %dma_start3A_101] : memref<819200x128xf32, #tpu.memory_space<hbm>> -> memref<128x128xf32, #tpu.memory_space<hbm>>
      %dma_start3A_103 = arith.constant 0 : i32
      %dma_start3A_104 = tpu.memref_slice %arg4[%add3A_100, %dma_start3A_103] : memref<819200x128xf32, #tpu.memory_space<hbm>> -> memref<128x128xf32, #tpu.memory_space<hbm>>
      tpu.enqueue_dma source(%arg7 : memref<128x128xf32, #tpu.memory_space<vmem>>) target(%dma_start3A_104 : memref<128x128xf32, #tpu.memory_space<hbm>>) target_semaphore(%arg15 : memref<!tpu.dma_semaphore, #tpu.memory_space<semaphore_mem>>)
      %add3A_105 = arith.constant 4 : i32
      %add3A_106 = arith.addi %add3A_84, %add3A_105 : i32
      %lt3A_107 = arith.constant 200 : i32
      %lt3A_108 = arith.cmpi slt, %add3A_106, %lt3A_107 : i32
      %convert_element_type3A_109 = arith.extui %lt3A_108 : i1 to i32
      %cond3A_110 = arith.constant 0 : i32
      %cond3A_111 = arith.cmpi ne, %convert_element_type3A_109, %cond3A_110 : i32
      scf.if %cond3A_111 {
        %dma_wait3A_174 = arith.constant 0 : i32
        %dma_wait3A_175 = tpu.memref_slice %arg4[%mul3A_4, %dma_wait3A_174] : memref<819200x128xf32, #tpu.memory_space<hbm>> -> memref<128x128xf32, #tpu.memory_space<hbm>>
        %dma_wait3A_176 = arith.constant 0 : i32
        %dma_wait3A_177 = tpu.memref_slice %arg4[%mul3A_4, %dma_wait3A_176] : memref<819200x128xf32, #tpu.memory_space<hbm>> -> memref<128x128xf32, #tpu.memory_space<hbm>>
        tpu.wait_dma2 semaphore(%arg15 : memref<!tpu.dma_semaphore, #tpu.memory_space<semaphore_mem>>) src(%arg7 : memref<128x128xf32, #tpu.memory_space<vmem>>) dst(%dma_wait3A_177 : memref<128x128xf32, #tpu.memory_space<hbm>>)
        %add3A_178 = arith.constant 4 : i32
        %add3A_179 = arith.addi %add3A_84, %add3A_178 : i32
        %dma_start3A_180 = arith.constant 0 : i32
        %dma_start3A_181 = tpu.memref_slice %arg5[%add3A_179, %dma_start3A_180] : memref<200x128xi32, #tpu.memory_space<vmem>> -> memref<1x128xi32, #tpu.memory_space<vmem>>
        %dma_start3A_182 = tpu.memref_squeeze %dma_start3A_181 : memref<1x128xi32, #tpu.memory_space<vmem>> -> memref<128xi32, #tpu.memory_space<vmem>>
        %dma_start3A_183 = arith.constant 0 : i32
        %dma_start3A_184 = arith.constant 0 : i32
        %dma_start3A_185 = tpu.memref_slice %arg3[%dma_start3A_183, %dma_start3A_184] : memref<100000x128xf32, #tpu.memory_space<hbm>> -> memref<100000x128xf32, #tpu.memory_space<hbm>>
        tpu.enqueue_indirect_dma source(%dma_start3A_185 : memref<100000x128xf32, #tpu.memory_space<hbm>>) target(%arg7 : memref<128x128xf32, #tpu.memory_space<vmem>>) offsets(%dma_start3A_182 : memref<128xi32, #tpu.memory_space<vmem>>) semaphore(%arg11 : memref<!tpu.dma_semaphore, #tpu.memory_space<semaphore_mem>>)
      } else {
      }
      %mul3A_112 = arith.constant 4 : i32
      %mul3A_113 = arith.muli %scan3A_52, %mul3A_112 : i32
      %add3A_114 = arith.constant 2 : i32
      %add3A_115 = arith.addi %mul3A_113, %add3A_114 : i32
      %dma_wait3A_116 = arith.constant 0 : i32
      %dma_wait3A_117 = arith.constant 0 : i32
      %dma_wait3A_118 = tpu.memref_slice %arg5[%dma_wait3A_116, %dma_wait3A_117] : memref<200x128xi32, #tpu.memory_space<vmem>> -> memref<1x128xi32, #tpu.memory_space<vmem>>
      %dma_wait3A_119 = tpu.memref_squeeze %dma_wait3A_118 : memref<1x128xi32, #tpu.memory_space<vmem>> -> memref<128xi32, #tpu.memory_space<vmem>>
      %dma_wait3A_120 = arith.constant 0 : i32
      %dma_wait3A_121 = arith.constant 0 : i32
      %dma_wait3A_122 = tpu.memref_slice %arg3[%dma_wait3A_120, %dma_wait3A_121] : memref<100000x128xf32, #tpu.memory_space<hbm>> -> memref<100000x128xf32, #tpu.memory_space<hbm>>
      tpu.wait_indirect_dma semaphore(%arg12 : memref<!tpu.dma_semaphore, #tpu.memory_space<semaphore_mem>>) src(%dma_wait3A_122 : memref<100000x128xf32, #tpu.memory_space<hbm>>) dst(%arg8 : memref<128x128xf32, #tpu.memory_space<vmem>>)
      %scan3A_123 = arith.constant 0 : i32
      %scan3A_124 = arith.constant 0 : i32
      %scan3A_125 = arith.constant 128 : i32
      %scan3A_126 = arith.addi %scan3A_124, %scan3A_125 : i32
      %scan3A_127 = arith.constant 1 : i32
      scf.for %scan3A_174 = %scan3A_124 to %scan3A_126 step %scan3A_127  : i32 {
        %get3A = arith.index_cast %scan3A_174 : i32 to index
        %get3A_175 = arith.constant 0 : index
        %get3A_176 = tpu.vector_load %arg8[%get3A, %get3A_175] {strides = array<i32>} : memref<128x128xf32, #tpu.memory_space<vmem>>, vector<1x16xf32>,
        %get3A_177 = vector.shape_cast %get3A_176 : vector<1x16xf32> to vector<16xf32>
        %mul3A_178 = arith.constant 11.3137083 : f32
        %mul3A_179 = vector.broadcast %mul3A_178 : f32 to vector<16xf32>
        %mul3A_180 = arith.mulf %get3A_177, %mul3A_179 : vector<16xf32>
        %swap3A = arith.index_cast %scan3A_174 : i32 to index
        %swap3A_181 = arith.constant 0 : index
        %swap3A_182 = tpu.vector_load %arg8[%swap3A, %swap3A_181] {strides = array<i32>} : memref<128x128xf32, #tpu.memory_space<vmem>>, vector<1x16xf32>,
        %swap3A_183 = vector.shape_cast %swap3A_182 : vector<1x16xf32> to vector<16xf32>
        %swap3A_184 = vector.shape_cast %mul3A_180 : vector<16xf32> to vector<1x16xf32>
        tpu.vector_store %arg8[%swap3A, %swap3A_181], %swap3A_184 {strides = array<i32>} : memref<128x128xf32, #tpu.memory_space<vmem>>, vector<1x16xf32>,
        %get3A_185 = arith.index_cast %scan3A_174 : i32 to index
        %get3A_186 = arith.constant 16 : index
        %get3A_187 = tpu.vector_load %arg8[%get3A_185, %get3A_186] {strides = array<i32>} : memref<128x128xf32, #tpu.memory_space<vmem>>, vector<1x16xf32>,
        %get3A_188 = vector.shape_cast %get3A_187 : vector<1x16xf32> to vector<16xf32>
        %mul3A_189 = arith.constant 11.3137083 : f32
        %mul3A_190 = vector.broadcast %mul3A_189 : f32 to vector<16xf32>
        %mul3A_191 = arith.mulf %get3A_188, %mul3A_190 : vector<16xf32>
        %swap3A_192 = arith.index_cast %scan3A_174 : i32 to index
        %swap3A_193 = arith.constant 16 : index
        %swap3A_194 = tpu.vector_load %arg8[%swap3A_192, %swap3A_193] {strides = array<i32>} : memref<128x128xf32, #tpu.memory_space<vmem>>, vector<1x16xf32>,
        %swap3A_195 = vector.shape_cast %swap3A_194 : vector<1x16xf32> to vector<16xf32>
        %swap3A_196 = vector.shape_cast %mul3A_191 : vector<16xf32> to vector<1x16xf32>
        tpu.vector_store %arg8[%swap3A_192, %swap3A_193], %swap3A_196 {strides = array<i32>} : memref<128x128xf32, #tpu.memory_space<vmem>>, vector<1x16xf32>,
        %get3A_197 = arith.index_cast %scan3A_174 : i32 to index
        %get3A_198 = arith.constant 32 : index
        %get3A_199 = tpu.vector_load %arg8[%get3A_197, %get3A_198] {strides = array<i32>} : memref<128x128xf32, #tpu.memory_space<vmem>>, vector<1x16xf32>,
        %get3A_200 = vector.shape_cast %get3A_199 : vector<1x16xf32> to vector<16xf32>
        %mul3A_201 = arith.constant 11.3137083 : f32
        %mul3A_202 = vector.broadcast %mul3A_201 : f32 to vector<16xf32>
        %mul3A_203 = arith.mulf %get3A_200, %mul3A_202 : vector<16xf32>
        %swap3A_204 = arith.index_cast %scan3A_174 : i32 to index
        %swap3A_205 = arith.constant 32 : index
        %swap3A_206 = tpu.vector_load %arg8[%swap3A_204, %swap3A_205] {strides = array<i32>} : memref<128x128xf32, #tpu.memory_space<vmem>>, vector<1x16xf32>,
        %swap3A_207 = vector.shape_cast %swap3A_206 : vector<1x16xf32> to vector<16xf32>
        %swap3A_208 = vector.shape_cast %mul3A_203 : vector<16xf32> to vector<1x16xf32>
        tpu.vector_store %arg8[%swap3A_204, %swap3A_205], %swap3A_208 {strides = array<i32>} : memref<128x128xf32, #tpu.memory_space<vmem>>, vector<1x16xf32>,
        %get3A_209 = arith.index_cast %scan3A_174 : i32 to index
        %get3A_210 = arith.constant 48 : index
        %get3A_211 = tpu.vector_load %arg8[%get3A_209, %get3A_210] {strides = array<i32>} : memref<128x128xf32, #tpu.memory_space<vmem>>, vector<1x16xf32>,
        %get3A_212 = vector.shape_cast %get3A_211 : vector<1x16xf32> to vector<16xf32>
        %mul3A_213 = arith.constant 11.3137083 : f32
        %mul3A_214 = vector.broadcast %mul3A_213 : f32 to vector<16xf32>
        %mul3A_215 = arith.mulf %get3A_212, %mul3A_214 : vector<16xf32>
        %swap3A_216 = arith.index_cast %scan3A_174 : i32 to index
        %swap3A_217 = arith.constant 48 : index
        %swap3A_218 = tpu.vector_load %arg8[%swap3A_216, %swap3A_217] {strides = array<i32>} : memref<128x128xf32, #tpu.memory_space<vmem>>, vector<1x16xf32>,
        %swap3A_219 = vector.shape_cast %swap3A_218 : vector<1x16xf32> to vector<16xf32>
        %swap3A_220 = vector.shape_cast %mul3A_215 : vector<16xf32> to vector<1x16xf32>
        tpu.vector_store %arg8[%swap3A_216, %swap3A_217], %swap3A_220 {strides = array<i32>} : memref<128x128xf32, #tpu.memory_space<vmem>>, vector<1x16xf32>,
        %get3A_221 = arith.index_cast %scan3A_174 : i32 to index
        %get3A_222 = arith.constant 64 : index
        %get3A_223 = tpu.vector_load %arg8[%get3A_221, %get3A_222] {strides = array<i32>} : memref<128x128xf32, #tpu.memory_space<vmem>>, vector<1x16xf32>,
        %get3A_224 = vector.shape_cast %get3A_223 : vector<1x16xf32> to vector<16xf32>
        %mul3A_225 = arith.constant 11.3137083 : f32
        %mul3A_226 = vector.broadcast %mul3A_225 : f32 to vector<16xf32>
        %mul3A_227 = arith.mulf %get3A_224, %mul3A_226 : vector<16xf32>
        %swap3A_228 = arith.index_cast %scan3A_174 : i32 to index
        %swap3A_229 = arith.constant 64 : index
        %swap3A_230 = tpu.vector_load %arg8[%swap3A_228, %swap3A_229] {strides = array<i32>} : memref<128x128xf32, #tpu.memory_space<vmem>>, vector<1x16xf32>,
        %swap3A_231 = vector.shape_cast %swap3A_230 : vector<1x16xf32> to vector<16xf32>
        %swap3A_232 = vector.shape_cast %mul3A_227 : vector<16xf32> to vector<1x16xf32>
        tpu.vector_store %arg8[%swap3A_228, %swap3A_229], %swap3A_232 {strides = array<i32>} : memref<128x128xf32, #tpu.memory_space<vmem>>, vector<1x16xf32>,
        %get3A_233 = arith.index_cast %scan3A_174 : i32 to index
        %get3A_234 = arith.constant 80 : index
        %get3A_235 = tpu.vector_load %arg8[%get3A_233, %get3A_234] {strides = array<i32>} : memref<128x128xf32, #tpu.memory_space<vmem>>, vector<1x16xf32>,
        %get3A_236 = vector.shape_cast %get3A_235 : vector<1x16xf32> to vector<16xf32>
        %mul3A_237 = arith.constant 11.3137083 : f32
        %mul3A_238 = vector.broadcast %mul3A_237 : f32 to vector<16xf32>
        %mul3A_239 = arith.mulf %get3A_236, %mul3A_238 : vector<16xf32>
        %swap3A_240 = arith.index_cast %scan3A_174 : i32 to index
        %swap3A_241 = arith.constant 80 : index
        %swap3A_242 = tpu.vector_load %arg8[%swap3A_240, %swap3A_241] {strides = array<i32>} : memref<128x128xf32, #tpu.memory_space<vmem>>, vector<1x16xf32>,
        %swap3A_243 = vector.shape_cast %swap3A_242 : vector<1x16xf32> to vector<16xf32>
        %swap3A_244 = vector.shape_cast %mul3A_239 : vector<16xf32> to vector<1x16xf32>
        tpu.vector_store %arg8[%swap3A_240, %swap3A_241], %swap3A_244 {strides = array<i32>} : memref<128x128xf32, #tpu.memory_space<vmem>>, vector<1x16xf32>,
        %get3A_245 = arith.index_cast %scan3A_174 : i32 to index
        %get3A_246 = arith.constant 96 : index
        %get3A_247 = tpu.vector_load %arg8[%get3A_245, %get3A_246] {strides = array<i32>} : memref<128x128xf32, #tpu.memory_space<vmem>>, vector<1x16xf32>,
        %get3A_248 = vector.shape_cast %get3A_247 : vector<1x16xf32> to vector<16xf32>
        %mul3A_249 = arith.constant 11.3137083 : f32
        %mul3A_250 = vector.broadcast %mul3A_249 : f32 to vector<16xf32>
        %mul3A_251 = arith.mulf %get3A_248, %mul3A_250 : vector<16xf32>
        %swap3A_252 = arith.index_cast %scan3A_174 : i32 to index
        %swap3A_253 = arith.constant 96 : index
        %swap3A_254 = tpu.vector_load %arg8[%swap3A_252, %swap3A_253] {strides = array<i32>} : memref<128x128xf32, #tpu.memory_space<vmem>>, vector<1x16xf32>,
        %swap3A_255 = vector.shape_cast %swap3A_254 : vector<1x16xf32> to vector<16xf32>
        %swap3A_256 = vector.shape_cast %mul3A_251 : vector<16xf32> to vector<1x16xf32>
        tpu.vector_store %arg8[%swap3A_252, %swap3A_253], %swap3A_256 {strides = array<i32>} : memref<128x128xf32, #tpu.memory_space<vmem>>, vector<1x16xf32>,
        %get3A_257 = arith.index_cast %scan3A_174 : i32 to index
        %get3A_258 = arith.constant 112 : index
        %get3A_259 = tpu.vector_load %arg8[%get3A_257, %get3A_258] {strides = array<i32>} : memref<128x128xf32, #tpu.memory_space<vmem>>, vector<1x16xf32>,
        %get3A_260 = vector.shape_cast %get3A_259 : vector<1x16xf32> to vector<16xf32>
        %mul3A_261 = arith.constant 11.3137083 : f32
        %mul3A_262 = vector.broadcast %mul3A_261 : f32 to vector<16xf32>
        %mul3A_263 = arith.mulf %get3A_260, %mul3A_262 : vector<16xf32>
        %swap3A_264 = arith.index_cast %scan3A_174 : i32 to index
        %swap3A_265 = arith.constant 112 : index
        %swap3A_266 = tpu.vector_load %arg8[%swap3A_264, %swap3A_265] {strides = array<i32>} : memref<128x128xf32, #tpu.memory_space<vmem>>, vector<1x16xf32>,
        %swap3A_267 = vector.shape_cast %swap3A_266 : vector<1x16xf32> to vector<16xf32>
        %swap3A_268 = vector.shape_cast %mul3A_263 : vector<16xf32> to vector<1x16xf32>
        tpu.vector_store %arg8[%swap3A_264, %swap3A_265], %swap3A_268 {strides = array<i32>} : memref<128x128xf32, #tpu.memory_space<vmem>>, vector<1x16xf32>,
      }
      %scan3A_128 = arith.constant 128 : i32
      %mul3A_129 = arith.constant 128 : i32
      %mul3A_130 = arith.muli %add3A_115, %mul3A_129 : i32
      %add3A_131 = arith.addi %mul3A_4, %mul3A_130 : i32
      %dma_start3A_132 = arith.constant 0 : i32
      %dma_start3A_133 = tpu.memref_slice %arg4[%add3A_131, %dma_start3A_132] : memref<819200x128xf32, #tpu.memory_space<hbm>> -> memref<128x128xf32, #tpu.memory_space<hbm>>
      %dma_start3A_134 = arith.constant 0 : i32
      %dma_start3A_135 = tpu.memref_slice %arg4[%add3A_131, %dma_start3A_134] : memref<819200x128xf32, #tpu.memory_space<hbm>> -> memref<128x128xf32, #tpu.memory_space<hbm>>
      tpu.enqueue_dma source(%arg8 : memref<128x128xf32, #tpu.memory_space<vmem>>) target(%dma_start3A_135 : memref<128x128xf32, #tpu.memory_space<hbm>>) target_semaphore(%arg16 : memref<!tpu.dma_semaphore, #tpu.memory_space<semaphore_mem>>)
      %add3A_136 = arith.constant 4 : i32
      %add3A_137 = arith.addi %add3A_115, %add3A_136 : i32
      %lt3A_138 = arith.constant 200 : i32
      %lt3A_139 = arith.cmpi slt, %add3A_137, %lt3A_138 : i32
      %convert_element_type3A_140 = arith.extui %lt3A_139 : i1 to i32
      %cond3A_141 = arith.constant 0 : i32
      %cond3A_142 = arith.cmpi ne, %convert_element_type3A_140, %cond3A_141 : i32
      scf.if %cond3A_142 {
        %dma_wait3A_174 = arith.constant 0 : i32
        %dma_wait3A_175 = tpu.memref_slice %arg4[%mul3A_4, %dma_wait3A_174] : memref<819200x128xf32, #tpu.memory_space<hbm>> -> memref<128x128xf32, #tpu.memory_space<hbm>>
        %dma_wait3A_176 = arith.constant 0 : i32
        %dma_wait3A_177 = tpu.memref_slice %arg4[%mul3A_4, %dma_wait3A_176] : memref<819200x128xf32, #tpu.memory_space<hbm>> -> memref<128x128xf32, #tpu.memory_space<hbm>>
        tpu.wait_dma2 semaphore(%arg16 : memref<!tpu.dma_semaphore, #tpu.memory_space<semaphore_mem>>) src(%arg8 : memref<128x128xf32, #tpu.memory_space<vmem>>) dst(%dma_wait3A_177 : memref<128x128xf32, #tpu.memory_space<hbm>>)
        %add3A_178 = arith.constant 4 : i32
        %add3A_179 = arith.addi %add3A_115, %add3A_178 : i32
        %dma_start3A_180 = arith.constant 0 : i32
        %dma_start3A_181 = tpu.memref_slice %arg5[%add3A_179, %dma_start3A_180] : memref<200x128xi32, #tpu.memory_space<vmem>> -> memref<1x128xi32, #tpu.memory_space<vmem>>
        %dma_start3A_182 = tpu.memref_squeeze %dma_start3A_181 : memref<1x128xi32, #tpu.memory_space<vmem>> -> memref<128xi32, #tpu.memory_space<vmem>>
        %dma_start3A_183 = arith.constant 0 : i32
        %dma_start3A_184 = arith.constant 0 : i32
        %dma_start3A_185 = tpu.memref_slice %arg3[%dma_start3A_183, %dma_start3A_184] : memref<100000x128xf32, #tpu.memory_space<hbm>> -> memref<100000x128xf32, #tpu.memory_space<hbm>>
        tpu.enqueue_indirect_dma source(%dma_start3A_185 : memref<100000x128xf32, #tpu.memory_space<hbm>>) target(%arg8 : memref<128x128xf32, #tpu.memory_space<vmem>>) offsets(%dma_start3A_182 : memref<128xi32, #tpu.memory_space<vmem>>) semaphore(%arg12 : memref<!tpu.dma_semaphore, #tpu.memory_space<semaphore_mem>>)
      } else {
      }
      %mul3A_143 = arith.constant 4 : i32
      %mul3A_144 = arith.muli %scan3A_52, %mul3A_143 : i32
      %add3A_145 = arith.constant 3 : i32
      %add3A_146 = arith.addi %mul3A_144, %add3A_145 : i32
      %dma_wait3A_147 = arith.constant 0 : i32
      %dma_wait3A_148 = arith.constant 0 : i32
      %dma_wait3A_149 = tpu.memref_slice %arg5[%dma_wait3A_147, %dma_wait3A_148] : memref<200x128xi32, #tpu.memory_space<vmem>> -> memref<1x128xi32, #tpu.memory_space<vmem>>
      %dma_wait3A_150 = tpu.memref_squeeze %dma_wait3A_149 : memref<1x128xi32, #tpu.memory_space<vmem>> -> memref<128xi32, #tpu.memory_space<vmem>>
      %dma_wait3A_151 = arith.constant 0 : i32
      %dma_wait3A_152 = arith.constant 0 : i32
      %dma_wait3A_153 = tpu.memref_slice %arg3[%dma_wait3A_151, %dma_wait3A_152] : memref<100000x128xf32, #tpu.memory_space<hbm>> -> memref<100000x128xf32, #tpu.memory_space<hbm>>
      tpu.wait_indirect_dma semaphore(%arg13 : memref<!tpu.dma_semaphore, #tpu.memory_space<semaphore_mem>>) src(%dma_wait3A_153 : memref<100000x128xf32, #tpu.memory_space<hbm>>) dst(%arg9 : memref<128x128xf32, #tpu.memory_space<vmem>>)
      %scan3A_154 = arith.constant 0 : i32
      %scan3A_155 = arith.constant 0 : i32
      %scan3A_156 = arith.constant 128 : i32
      %scan3A_157 = arith.addi %scan3A_155, %scan3A_156 : i32
      %scan3A_158 = arith.constant 1 : i32
      scf.for %scan3A_174 = %scan3A_155 to %scan3A_157 step %scan3A_158  : i32 {
        %get3A = arith.index_cast %scan3A_174 : i32 to index
        %get3A_175 = arith.constant 0 : index
        %get3A_176 = tpu.vector_load %arg9[%get3A, %get3A_175] {strides = array<i32>} : memref<128x128xf32, #tpu.memory_space<vmem>>, vector<1x16xf32>,
        %get3A_177 = vector.shape_cast %get3A_176 : vector<1x16xf32> to vector<16xf32>
        %mul3A_178 = arith.constant 11.3137083 : f32
        %mul3A_179 = vector.broadcast %mul3A_178 : f32 to vector<16xf32>
        %mul3A_180 = arith.mulf %get3A_177, %mul3A_179 : vector<16xf32>
        %swap3A = arith.index_cast %scan3A_174 : i32 to index
        %swap3A_181 = arith.constant 0 : index
        %swap3A_182 = tpu.vector_load %arg9[%swap3A, %swap3A_181] {strides = array<i32>} : memref<128x128xf32, #tpu.memory_space<vmem>>, vector<1x16xf32>,
        %swap3A_183 = vector.shape_cast %swap3A_182 : vector<1x16xf32> to vector<16xf32>
        %swap3A_184 = vector.shape_cast %mul3A_180 : vector<16xf32> to vector<1x16xf32>
        tpu.vector_store %arg9[%swap3A, %swap3A_181], %swap3A_184 {strides = array<i32>} : memref<128x128xf32, #tpu.memory_space<vmem>>, vector<1x16xf32>,
        %get3A_185 = arith.index_cast %scan3A_174 : i32 to index
        %get3A_186 = arith.constant 16 : index
        %get3A_187 = tpu.vector_load %arg9[%get3A_185, %get3A_186] {strides = array<i32>} : memref<128x128xf32, #tpu.memory_space<vmem>>, vector<1x16xf32>,
        %get3A_188 = vector.shape_cast %get3A_187 : vector<1x16xf32> to vector<16xf32>
        %mul3A_189 = arith.constant 11.3137083 : f32
        %mul3A_190 = vector.broadcast %mul3A_189 : f32 to vector<16xf32>
        %mul3A_191 = arith.mulf %get3A_188, %mul3A_190 : vector<16xf32>
        %swap3A_192 = arith.index_cast %scan3A_174 : i32 to index
        %swap3A_193 = arith.constant 16 : index
        %swap3A_194 = tpu.vector_load %arg9[%swap3A_192, %swap3A_193] {strides = array<i32>} : memref<128x128xf32, #tpu.memory_space<vmem>>, vector<1x16xf32>,
        %swap3A_195 = vector.shape_cast %swap3A_194 : vector<1x16xf32> to vector<16xf32>
        %swap3A_196 = vector.shape_cast %mul3A_191 : vector<16xf32> to vector<1x16xf32>
        tpu.vector_store %arg9[%swap3A_192, %swap3A_193], %swap3A_196 {strides = array<i32>} : memref<128x128xf32, #tpu.memory_space<vmem>>, vector<1x16xf32>,
        %get3A_197 = arith.index_cast %scan3A_174 : i32 to index
        %get3A_198 = arith.constant 32 : index
        %get3A_199 = tpu.vector_load %arg9[%get3A_197, %get3A_198] {strides = array<i32>} : memref<128x128xf32, #tpu.memory_space<vmem>>, vector<1x16xf32>,
        %get3A_200 = vector.shape_cast %get3A_199 : vector<1x16xf32> to vector<16xf32>
        %mul3A_201 = arith.constant 11.3137083 : f32
        %mul3A_202 = vector.broadcast %mul3A_201 : f32 to vector<16xf32>
        %mul3A_203 = arith.mulf %get3A_200, %mul3A_202 : vector<16xf32>
        %swap3A_204 = arith.index_cast %scan3A_174 : i32 to index
        %swap3A_205 = arith.constant 32 : index
        %swap3A_206 = tpu.vector_load %arg9[%swap3A_204, %swap3A_205] {strides = array<i32>} : memref<128x128xf32, #tpu.memory_space<vmem>>, vector<1x16xf32>,
        %swap3A_207 = vector.shape_cast %swap3A_206 : vector<1x16xf32> to vector<16xf32>
        %swap3A_208 = vector.shape_cast %mul3A_203 : vector<16xf32> to vector<1x16xf32>
        tpu.vector_store %arg9[%swap3A_204, %swap3A_205], %swap3A_208 {strides = array<i32>} : memref<128x128xf32, #tpu.memory_space<vmem>>, vector<1x16xf32>,
        %get3A_209 = arith.index_cast %scan3A_174 : i32 to index
        %get3A_210 = arith.constant 48 : index
        %get3A_211 = tpu.vector_load %arg9[%get3A_209, %get3A_210] {strides = array<i32>} : memref<128x128xf32, #tpu.memory_space<vmem>>, vector<1x16xf32>,
        %get3A_212 = vector.shape_cast %get3A_211 : vector<1x16xf32> to vector<16xf32>
        %mul3A_213 = arith.constant 11.3137083 : f32
        %mul3A_214 = vector.broadcast %mul3A_213 : f32 to vector<16xf32>
        %mul3A_215 = arith.mulf %get3A_212, %mul3A_214 : vector<16xf32>
        %swap3A_216 = arith.index_cast %scan3A_174 : i32 to index
        %swap3A_217 = arith.constant 48 : index
        %swap3A_218 = tpu.vector_load %arg9[%swap3A_216, %swap3A_217] {strides = array<i32>} : memref<128x128xf32, #tpu.memory_space<vmem>>, vector<1x16xf32>,
        %swap3A_219 = vector.shape_cast %swap3A_218 : vector<1x16xf32> to vector<16xf32>
        %swap3A_220 = vector.shape_cast %mul3A_215 : vector<16xf32> to vector<1x16xf32>
        tpu.vector_store %arg9[%swap3A_216, %swap3A_217], %swap3A_220 {strides = array<i32>} : memref<128x128xf32, #tpu.memory_space<vmem>>, vector<1x16xf32>,
        %get3A_221 = arith.index_cast %scan3A_174 : i32 to index
        %get3A_222 = arith.constant 64 : index
        %get3A_223 = tpu.vector_load %arg9[%get3A_221, %get3A_222] {strides = array<i32>} : memref<128x128xf32, #tpu.memory_space<vmem>>, vector<1x16xf32>,
        %get3A_224 = vector.shape_cast %get3A_223 : vector<1x16xf32> to vector<16xf32>
        %mul3A_225 = arith.constant 11.3137083 : f32
        %mul3A_226 = vector.broadcast %mul3A_225 : f32 to vector<16xf32>
        %mul3A_227 = arith.mulf %get3A_224, %mul3A_226 : vector<16xf32>
        %swap3A_228 = arith.index_cast %scan3A_174 : i32 to index
        %swap3A_229 = arith.constant 64 : index
        %swap3A_230 = tpu.vector_load %arg9[%swap3A_228, %swap3A_229] {strides = array<i32>} : memref<128x128xf32, #tpu.memory_space<vmem>>, vector<1x16xf32>,
        %swap3A_231 = vector.shape_cast %swap3A_230 : vector<1x16xf32> to vector<16xf32>
        %swap3A_232 = vector.shape_cast %mul3A_227 : vector<16xf32> to vector<1x16xf32>
        tpu.vector_store %arg9[%swap3A_228, %swap3A_229], %swap3A_232 {strides = array<i32>} : memref<128x128xf32, #tpu.memory_space<vmem>>, vector<1x16xf32>,
        %get3A_233 = arith.index_cast %scan3A_174 : i32 to index
        %get3A_234 = arith.constant 80 : index
        %get3A_235 = tpu.vector_load %arg9[%get3A_233, %get3A_234] {strides = array<i32>} : memref<128x128xf32, #tpu.memory_space<vmem>>, vector<1x16xf32>,
        %get3A_236 = vector.shape_cast %get3A_235 : vector<1x16xf32> to vector<16xf32>
        %mul3A_237 = arith.constant 11.3137083 : f32
        %mul3A_238 = vector.broadcast %mul3A_237 : f32 to vector<16xf32>
        %mul3A_239 = arith.mulf %get3A_236, %mul3A_238 : vector<16xf32>
        %swap3A_240 = arith.index_cast %scan3A_174 : i32 to index
        %swap3A_241 = arith.constant 80 : index
        %swap3A_242 = tpu.vector_load %arg9[%swap3A_240, %swap3A_241] {strides = array<i32>} : memref<128x128xf32, #tpu.memory_space<vmem>>, vector<1x16xf32>,
        %swap3A_243 = vector.shape_cast %swap3A_242 : vector<1x16xf32> to vector<16xf32>
        %swap3A_244 = vector.shape_cast %mul3A_239 : vector<16xf32> to vector<1x16xf32>
        tpu.vector_store %arg9[%swap3A_240, %swap3A_241], %swap3A_244 {strides = array<i32>} : memref<128x128xf32, #tpu.memory_space<vmem>>, vector<1x16xf32>,
        %get3A_245 = arith.index_cast %scan3A_174 : i32 to index
        %get3A_246 = arith.constant 96 : index
        %get3A_247 = tpu.vector_load %arg9[%get3A_245, %get3A_246] {strides = array<i32>} : memref<128x128xf32, #tpu.memory_space<vmem>>, vector<1x16xf32>,
        %get3A_248 = vector.shape_cast %get3A_247 : vector<1x16xf32> to vector<16xf32>
        %mul3A_249 = arith.constant 11.3137083 : f32
        %mul3A_250 = vector.broadcast %mul3A_249 : f32 to vector<16xf32>
        %mul3A_251 = arith.mulf %get3A_248, %mul3A_250 : vector<16xf32>
        %swap3A_252 = arith.index_cast %scan3A_174 : i32 to index
        %swap3A_253 = arith.constant 96 : index
        %swap3A_254 = tpu.vector_load %arg9[%swap3A_252, %swap3A_253] {strides = array<i32>} : memref<128x128xf32, #tpu.memory_space<vmem>>, vector<1x16xf32>,
        %swap3A_255 = vector.shape_cast %swap3A_254 : vector<1x16xf32> to vector<16xf32>
        %swap3A_256 = vector.shape_cast %mul3A_251 : vector<16xf32> to vector<1x16xf32>
        tpu.vector_store %arg9[%swap3A_252, %swap3A_253], %swap3A_256 {strides = array<i32>} : memref<128x128xf32, #tpu.memory_space<vmem>>, vector<1x16xf32>,
        %get3A_257 = arith.index_cast %scan3A_174 : i32 to index
        %get3A_258 = arith.constant 112 : index
        %get3A_259 = tpu.vector_load %arg9[%get3A_257, %get3A_258] {strides = array<i32>} : memref<128x128xf32, #tpu.memory_space<vmem>>, vector<1x16xf32>,
        %get3A_260 = vector.shape_cast %get3A_259 : vector<1x16xf32> to vector<16xf32>
        %mul3A_261 = arith.constant 11.3137083 : f32
        %mul3A_262 = vector.broadcast %mul3A_261 : f32 to vector<16xf32>
        %mul3A_263 = arith.mulf %get3A_260, %mul3A_262 : vector<16xf32>
        %swap3A_264 = arith.index_cast %scan3A_174 : i32 to index
        %swap3A_265 = arith.constant 112 : index
        %swap3A_266 = tpu.vector_load %arg9[%swap3A_264, %swap3A_265] {strides = array<i32>} : memref<128x128xf32, #tpu.memory_space<vmem>>, vector<1x16xf32>,
        %swap3A_267 = vector.shape_cast %swap3A_266 : vector<1x16xf32> to vector<16xf32>
        %swap3A_268 = vector.shape_cast %mul3A_263 : vector<16xf32> to vector<1x16xf32>
        tpu.vector_store %arg9[%swap3A_264, %swap3A_265], %swap3A_268 {strides = array<i32>} : memref<128x128xf32, #tpu.memory_space<vmem>>, vector<1x16xf32>,
      }
      %scan3A_159 = arith.constant 128 : i32
      %mul3A_160 = arith.constant 128 : i32
      %mul3A_161 = arith.muli %add3A_146, %mul3A_160 : i32
      %add3A_162 = arith.addi %mul3A_4, %mul3A_161 : i32
      %dma_start3A_163 = arith.constant 0 : i32
      %dma_start3A_164 = tpu.memref_slice %arg4[%add3A_162, %dma_start3A_163] : memref<819200x128xf32, #tpu.memory_space<hbm>> -> memref<128x128xf32, #tpu.memory_space<hbm>>
      %dma_start3A_165 = arith.constant 0 : i32
      %dma_start3A_166 = tpu.memref_slice %arg4[%add3A_162, %dma_start3A_165] : memref<819200x128xf32, #tpu.memory_space<hbm>> -> memref<128x128xf32, #tpu.memory_space<hbm>>
      tpu.enqueue_dma source(%arg9 : memref<128x128xf32, #tpu.memory_space<vmem>>) target(%dma_start3A_166 : memref<128x128xf32, #tpu.memory_space<hbm>>) target_semaphore(%arg17 : memref<!tpu.dma_semaphore, #tpu.memory_space<semaphore_mem>>)
      %add3A_167 = arith.constant 4 : i32
      %add3A_168 = arith.addi %add3A_146, %add3A_167 : i32
      %lt3A_169 = arith.constant 200 : i32
      %lt3A_170 = arith.cmpi slt, %add3A_168, %lt3A_169 : i32
      %convert_element_type3A_171 = arith.extui %lt3A_170 : i1 to i32
      %cond3A_172 = arith.constant 0 : i32
      %cond3A_173 = arith.cmpi ne, %convert_element_type3A_171, %cond3A_172 : i32
      scf.if %cond3A_173 {
        %dma_wait3A_174 = arith.constant 0 : i32
        %dma_wait3A_175 = tpu.memref_slice %arg4[%mul3A_4, %dma_wait3A_174] : memref<819200x128xf32, #tpu.memory_space<hbm>> -> memref<128x128xf32, #tpu.memory_space<hbm>>
        %dma_wait3A_176 = arith.constant 0 : i32
        %dma_wait3A_177 = tpu.memref_slice %arg4[%mul3A_4, %dma_wait3A_176] : memref<819200x128xf32, #tpu.memory_space<hbm>> -> memref<128x128xf32, #tpu.memory_space<hbm>>
        tpu.wait_dma2 semaphore(%arg17 : memref<!tpu.dma_semaphore, #tpu.memory_space<semaphore_mem>>) src(%arg9 : memref<128x128xf32, #tpu.memory_space<vmem>>) dst(%dma_wait3A_177 : memref<128x128xf32, #tpu.memory_space<hbm>>)
        %add3A_178 = arith.constant 4 : i32
        %add3A_179 = arith.addi %add3A_146, %add3A_178 : i32
        %dma_start3A_180 = arith.constant 0 : i32
        %dma_start3A_181 = tpu.memref_slice %arg5[%add3A_179, %dma_start3A_180] : memref<200x128xi32, #tpu.memory_space<vmem>> -> memref<1x128xi32, #tpu.memory_space<vmem>>
        %dma_start3A_182 = tpu.memref_squeeze %dma_start3A_181 : memref<1x128xi32, #tpu.memory_space<vmem>> -> memref<128xi32, #tpu.memory_space<vmem>>
        %dma_start3A_183 = arith.constant 0 : i32
        %dma_start3A_184 = arith.constant 0 : i32
        %dma_start3A_185 = tpu.memref_slice %arg3[%dma_start3A_183, %dma_start3A_184] : memref<100000x128xf32, #tpu.memory_space<hbm>> -> memref<100000x128xf32, #tpu.memory_space<hbm>>
        tpu.enqueue_indirect_dma source(%dma_start3A_185 : memref<100000x128xf32, #tpu.memory_space<hbm>>) target(%arg9 : memref<128x128xf32, #tpu.memory_space<vmem>>) offsets(%dma_start3A_182 : memref<128xi32, #tpu.memory_space<vmem>>) semaphore(%arg13 : memref<!tpu.dma_semaphore, #tpu.memory_space<semaphore_mem>>)
      } else {
      }
    }
    %scan3A_36 = arith.constant 50 : i32
    %dma_wait3A = arith.constant 0 : i32
    %dma_wait3A_37 = tpu.memref_slice %arg4[%mul3A_4, %dma_wait3A] : memref<819200x128xf32, #tpu.memory_space<hbm>> -> memref<128x128xf32, #tpu.memory_space<hbm>>
    %dma_wait3A_38 = arith.constant 0 : i32
    %dma_wait3A_39 = tpu.memref_slice %arg4[%mul3A_4, %dma_wait3A_38] : memref<819200x128xf32, #tpu.memory_space<hbm>> -> memref<128x128xf32, #tpu.memory_space<hbm>>
    tpu.wait_dma2 semaphore(%arg14 : memref<!tpu.dma_semaphore, #tpu.memory_space<semaphore_mem>>) src(%arg6 : memref<128x128xf32, #tpu.memory_space<vmem>>) dst(%dma_wait3A_39 : memref<128x128xf32, #tpu.memory_space<hbm>>)
    %dma_wait3A_40 = arith.constant 0 : i32
    %dma_wait3A_41 = tpu.memref_slice %arg4[%mul3A_4, %dma_wait3A_40] : memref<819200x128xf32, #tpu.memory_space<hbm>> -> memref<128x128xf32, #tpu.memory_space<hbm>>
    %dma_wait3A_42 = arith.constant 0 : i32
    %dma_wait3A_43 = tpu.memref_slice %arg4[%mul3A_4, %dma_wait3A_42] : memref<819200x128xf32, #tpu.memory_space<hbm>> -> memref<128x128xf32, #tpu.memory_space<hbm>>
    tpu.wait_dma2 semaphore(%arg15 : memref<!tpu.dma_semaphore, #tpu.memory_space<semaphore_mem>>) src(%arg7 : memref<128x128xf32, #tpu.memory_space<vmem>>) dst(%dma_wait3A_43 : memref<128x128xf32, #tpu.memory_space<hbm>>)
    %dma_wait3A_44 = arith.constant 0 : i32
    %dma_wait3A_45 = tpu.memref_slice %arg4[%mul3A_4, %dma_wait3A_44] : memref<819200x128xf32, #tpu.memory_space<hbm>> -> memref<128x128xf32, #tpu.memory_space<hbm>>
    %dma_wait3A_46 = arith.constant 0 : i32
    %dma_wait3A_47 = tpu.memref_slice %arg4[%mul3A_4, %dma_wait3A_46] : memref<819200x128xf32, #tpu.memory_space<hbm>> -> memref<128x128xf32, #tpu.memory_space<hbm>>
    tpu.wait_dma2 semaphore(%arg16 : memref<!tpu.dma_semaphore, #tpu.memory_space<semaphore_mem>>) src(%arg8 : memref<128x128xf32, #tpu.memory_space<vmem>>) dst(%dma_wait3A_47 : memref<128x128xf32, #tpu.memory_space<hbm>>)
    %dma_wait3A_48 = arith.constant 0 : i32
    %dma_wait3A_49 = tpu.memref_slice %arg4[%mul3A_4, %dma_wait3A_48] : memref<819200x128xf32, #tpu.memory_space<hbm>> -> memref<128x128xf32, #tpu.memory_space<hbm>>
    %dma_wait3A_50 = arith.constant 0 : i32
    %dma_wait3A_51 = tpu.memref_slice %arg4[%mul3A_4, %dma_wait3A_50] : memref<819200x128xf32, #tpu.memory_space<hbm>> -> memref<128x128xf32, #tpu.memory_space<hbm>>
    tpu.wait_dma2 semaphore(%arg17 : memref<!tpu.dma_semaphore, #tpu.memory_space<semaphore_mem>>) src(%arg9 : memref<128x128xf32, #tpu.memory_space<vmem>>) dst(%dma_wait3A_51 : memref<128x128xf32, #tpu.memory_space<hbm>>)
    return
  }
}

</mosaic_0001>

<sc_bundles>
// kernel: kernel.3.cloned.1.call-start
scs
__scs_entry_jumppad:
0x0: {  	(pc) =	sbr.rel $0x88, $3  }
0x1: {  	(tag) =	ssettag $0x0;
	lr =	simm.s32 $0x1  }
0x2: {  	[smem:$0x3F9F] =	sst lr;
	_ =	strace $0xD0000000  }
0x3: {  	_ = 	snop  }
0x4: {  	_ = 	snop  }
0x5: {  	_ = 	snop  }
0x6: {  	_ = 	snop  }
0x7: {  	_ = 	snop  }
__scs_overlays_trampoline_lowered:
0x8: {  	[smem:$0x3FAE] =	sst s0  }
0x9: {  	[smem:$0x3FAF] =	sst s1  }
0xa: {  	[smem:$0x3FB0] =	sst s2  }
0xb: {  	[smem:$0x3FB1] =	sst s3  }
0xc: {  	[smem:$0x3FB2] =	sst s4  }
0xd: {  	[smem:$0x3FB3] =	sst s5  }
0xe: {  	[smem:$0x3FB4] =	sst s6  }
0xf: {  	[smem:$0x3FB5] =	sst s7  }
0x10: {  	[smem:$0x3FB6] =	sst s8  }
0x11: {  	[smem:$0x3FB7] =	sst s9;
	s0 =	simm.s32 @!p0 $0x0  }
0x12: {  	s1 =	sld [smem:$0x3F9D];
	s0 =	simm.s32 @p0 $0x1  }
0x13: {  	[smem:$0x3FB8] =	sst s0;
	s0 =	simm.s32 @!p1 $0x0  }
0x14: {  	s2 =	sld [smem:$0x3F9C];
	s0 =	simm.s32 @p1 $0x1  }
0x15: {  	[smem:$0x3FB9] =	sst s0;
	s0 =	simm.s32 @!p2 $0x0  }
0x16: {  	s3 =	sld [smem:$0x3FDB];
	s0 =	simm.s32 @p2 $0x1  }
0x17: {  	s4 =	simm.s32 $0x1BF5;
	[smem:$0x3FBB] =	sst s0  }
0x18: {  	s0 =	sld [smem:$0x3F9E];
	_ =	swait.ge [sflag:s4], $0x0  }
0x19: {  	s7 =	sld [smem:$0x3F9F]  }
0x1a: {  	s8 =	sadd.s32 $0xFFFFE003, lr  }
0x1b: {  	s9 =	sadd.s32 $0xFFFFFEF7, lr;
	s5 =	simm.s32 $0xFFFFFFFF;
	p2 =	slt.u32 s8, $0xFFFFF086  }
0x1c: {  	p1 =	slt.u32 s9, $0xF7A;
	s5 =	simm.s32 @!p2 $0x0  }
0x1d: {  	s5 =	simm.s32 @p1 $0x1;
	p0 =	seq.s32 s7, s2  }
0x1e: {  	s7 =	smul.u32 @!p0 $0xF7A, s2;
	p2 =	seq.s32 @!p0 s5, $0x0  }
0x1f: {  	s9 =	smul.u32 $0xF7A, s1;
	s8 =	simm.s32 @!p0 $0x1BF5;
	p2 =	por !p2, p0  }
0x20: {  	[sflag:s8] =	ssyncset.s32 @!p0 $0xFFFFF086;
	s6 =	sadd.s32 @!p0 s3, s7;
	s7 =	simm.s32 @!p0 $0x108  }
0x21: {  	s3 =	sadd.s32 s3, s9;
	s6 =	sadd.s32 @!p0 $0x88, s6;
	s7 =	simm.s32 @p2 $0x1082  }
0x22: {  	[simem:s7], [sflag:s8] =	dma.local @!p0 [hbm:s6], $0xF7A  }
0x23: {  	s9 =	sor.u32 $0xD0000000, s2;
	s6 =	simm.s32 $0x108;
	_ =	swait.ge @!p0 [sflag:s8], $0x0  }
0x24: {  	s3 =	sadd.s32 $0x88, s3;
	s6 =	simm.s32 @!p1 $0x1082;
	[sflag:s4] =	ssyncset.s32 $0xFFFFF086  }
0x25: {  	[simem:s6], [sflag:s4] =	dma.local [hbm:s3], $0xF7A  }
0x26: {  	[smem:$0x3F9F] =	sst s1;
	(tag) =	ssettag s2;
	_ =	strace s9  }
0x27: {  	s1 =	sld [smem:$0x3FAF]  }
0x28: {  	s2 =	sld [smem:$0x3FB0]  }
0x29: {  	s4 =	sld [smem:$0x3FB2]  }
0x2a: {  	p0 =	seq.s32 s5, $0x0;
	s5 =	sld [smem:$0x3FB3]  }
0x2b: {  	s6 =	sld [smem:$0x3FB4]  }
0x2c: {  	s7 =	sld [smem:$0x3FB5]  }
0x2d: {  	s3 =	simm.s32 $0x108;
	s8 =	sld [smem:$0x3FB6]  }
0x2e: {  	s3 =	simm.s32 @!p0 $0x1082;
	s9 =	sld [smem:$0x3FB7]  }
0x2f: {  	lr =	sadd.s32 s0, s3;
	s0 =	sld [smem:$0x3FAE]  }
0x30: {  	s3 =	sld [smem:$0x3FB1]  }
0x31: {  	[smem:$0x3FBA] =	sst s10  }
0x32: {  	s10 =	sld [smem:$0x3FB8];
	_ =	sdelay $0x3  }
0x33: {  	p0 =	seq.s32 s10, $0x1;
	s10 =	sld [smem:$0x3FBA];
	_ =	sdelay $0x3  }
0x34: {  	[smem:$0x3FBA] =	sst s10  }
0x35: {  	s10 =	sld [smem:$0x3FB9];
	_ =	sdelay $0x3  }
0x36: {  	p1 =	seq.s32 s10, $0x1;
	s10 =	sld [smem:$0x3FBA];
	_ =	sdelay $0x3  }
0x37: {  	[smem:$0x3FBA] =	sst s10  }
0x38: {  	s10 =	sld [smem:$0x3FBB]  }
0x39: {  	_ = 	snop;
	(pc) =	sbr.ind lr, $3  }
0x3a: {  	_ = 	snop  }
0x3b: {  	_ = 	snop  }
0x3c: {  	p2 =	seq.s32 s10, $0x1;
	s10 =	sld [smem:$0x3FBA]  }
0x3d: {  	_ =	shalt  }
0x3e: {  	_ =	shalt  }
0x3f: {  	_ =	shalt  }
0x40: {  	_ =	shalt  }
0x41: {  	_ =	shalt  }
0x42: {  	_ =	shalt  }
0x43: {  	_ =	shalt  }
0x44: {  	_ =	shalt  }
0x45: {  	_ =	shalt  }
0x46: {  	_ =	shalt  }
0x47: {  	_ =	shalt  }
0x48: {  	_ =	shalt  }
0x49: {  	_ =	shalt  }
0x4a: {  	_ =	shalt  }
0x4b: {  	_ =	shalt  }
0x4c: {  	_ =	shalt  }
0x4d: {  	_ =	shalt  }
0x4e: {  	_ =	shalt  }
0x4f: {  	_ =	shalt  }
0x50: {  	_ =	shalt  }
0x51: {  	_ =	shalt  }
0x52: {  	_ =	shalt  }
0x53: {  	_ =	shalt  }
0x54: {  	_ =	shalt  }
0x55: {  	_ =	shalt  }
0x56: {  	_ =	shalt  }
0x57: {  	_ =	shalt  }
0x58: {  	_ =	shalt  }
0x59: {  	_ =	shalt  }
0x5a: {  	_ =	shalt  }
0x5b: {  	_ =	shalt  }
0x5c: {  	_ =	shalt  }
0x5d: {  	_ =	shalt  }
0x5e: {  	_ =	shalt  }
0x5f: {  	_ =	shalt  }
0x60: {  	_ =	shalt  }
0x61: {  	_ =	shalt  }
0x62: {  	_ =	shalt  }
0x63: {  	_ =	shalt  }
0x64: {  	_ =	shalt  }
0x65: {  	_ =	shalt  }
0x66: {  	_ =	shalt  }
0x67: {  	_ =	shalt  }
0x68: {  	_ =	shalt  }
0x69: {  	_ =	shalt  }
0x6a: {  	_ =	shalt  }
0x6b: {  	_ =	shalt  }
0x6c: {  	_ =	shalt  }
0x6d: {  	_ =	shalt  }
0x6e: {  	_ =	shalt  }
0x6f: {  	_ =	shalt  }
0x70: {  	_ =	shalt  }
0x71: {  	_ =	shalt  }
0x72: {  	_ =	shalt  }
0x73: {  	_ =	shalt  }
0x74: {  	_ =	shalt  }
0x75: {  	_ =	shalt  }
0x76: {  	_ =	shalt  }
0x77: {  	_ =	shalt  }
0x78: {  	_ =	shalt  }
0x79: {  	_ =	shalt  }
0x7a: {  	_ =	shalt  }
0x7b: {  	_ =	shalt  }
0x7c: {  	_ =	shalt  }
0x7d: {  	_ =	shalt  }
0x7e: {  	_ =	shalt  }
0x7f: {  	_ =	shalt  }
0x80: {  	_ =	shalt  }
0x81: {  	_ =	shalt  }
0x82: {  	_ =	shalt  }
0x83: {  	_ =	shalt  }
0x84: {  	_ =	shalt  }
0x85: {  	_ =	shalt  }
0x86: {  	_ =	shalt  }
0x87: {  	_ =	shalt  }
.Lfunc_end0:
.L_simem_size_0:
called_computation_lowered:
.L_overlay_start_0:
0x88: {  	s2 =	sld [smem:$0x3FD9]  }
0x89: {  	s3 =	sld [smem:$0x3FFE];
	_ =	sdelay $0x1  }
0x8a: {  	s1 =	srdreg.scid  }
0x8b: {  	s0 =	sand.u32 $0x1, s1  }
0x8c: {  	s17 =	sshll.u32 s0, $0xA;
	s2 =	sadd.s32 s3, s2  }
0x8d: {  	s2 =	sadd.s32 s2, s17  }
0x8e: {  	[smem:$0x3FC6] =	sst s2  }
0x8f: {  	_ = 	snop  }
0x90: {  	s2 =	sld [smem:$0x3FC8]  }
0x91: {  	s18 =	sld [smem:$0x3FD0];
	(tm) =	ssettm $0x1  }
0x92: {  	s4 =	sld [smem:$0x3FFB];
	_ =	sdelay $0x3  }
0x93: {  	_ =	strace s4  }
0x94: {  	s4 =	sld [smem:$0x3FFC];
	_ =	sdelay $0x3  }
0x95: {  	_ =	strace s4  }
0x96: {  	s4 =	sld [smem:$0x3FFD];
	_ =	sdelay $0x3  }
0x97: {  	_ =	strace s4  }
0x98: {  	_ =	strace $0x8FFFFFFF  }
0x99: {  	s19 =	sld [smem:$0x3FDB];
	_ =	sdelay $0x1  }
0x9a: {  	s5 =	simm.s32 $_scs_section_size  }
0x9b: {  	s6 =	simm.s32 $_size__tile_overlayer_lowered;
	s7 =	simm.s32 $_tile_overlayer_lowered  }
0x9c: {  	s22 =	simm.s32 $0x1BFF;
	s21 =	sshll.u32 s7, $0x1;
	s4 =	sadd.s32 s5, s19  }
0x9d: {  	s8 =	simm.s32 $0x0;
	s20 =	sshll.u32 s6, $0x1;
	s6 =	sadd.s32 s21, s4  }
0x9e: {  	[timem:s8], [sflag:s22] =	dma.local [hbm:s6], s20  }
0x9f: {  	_ =	swait.ge [sflag:s22], s20  }
0xa0: {  	s5 =	ssub.s32 $0x0, s20;
	[sflag:s22] =	ssyncset.done $0x0  }
0xa1: {  	[sflag:s22] =	ssyncadd.s32 s5;
	_ =	sdelay $0x1  }
0xa2: {  	s23 =	simm.s32 $0x1B8B  }
0xa3: {  	_ =	swait.ge [sflag:s23], $0x1  }
0xa4: {  	[sflag:s23] =	ssyncset.done $0x0  }
0xa5: {  	s25 =	simm.s32 $0x1B8E;
	s24 =	sld [smem:$0x3FFE];
	[sflag:s23] =	ssyncadd.s32 $0xFFFFFFFF  }
0xa6: {  	s26 =	simm.s32 $execute0_lowered;
	[smem:$0x3FD2] =	sst s25  }
0xa7: {  	s6 =	sshll.u32 s26, $0x1;
	_ =	strace $0x80000046;
	[dreg:$0x1] =	wrdreg $0xFFFFFFFF  }
0xa8: {  	s28 =	simm.s32 $_size_execute0_lowered;
	s4 =	sadd.s32 s4, s6;
	[dreg:$0x0] =	wrdreg $0x0  }
0xa9: {  	s6 =	sshll.u32 s28, $0x1;
	[dreg:$0x2] =	wrdreg s4  }
0xaa: {  	[dreg:$0x3] =	wrdreg s6  }
0xab: {  	[dreg:$0x4] =	wrdreg $0xC0  }
0xac: {  	_ =	task [dreg:s8], $0x5FFFF  }
0xad: {  	[dreg:$0x1] =	wrdreg $0xFFFFFFFF  }
0xae: {  	[dreg:$0x0] =	wrdreg $0x60  }
0xaf: {  	[dreg:$0x2] =	wrdreg s24  }
0xb0: {  	[dreg:$0x3] =	wrdreg s2  }
0xb1: {  	[dreg:$0x4] =	wrdreg s18  }
0xb2: {  	[dreg:$0x5] =	wrdreg $0x9  }
0xb3: {  	_ =	task.clear_ibuf [dreg:s8], $0x6FFFF;
	_ =	strace $0x90000046  }
0xb4: {  	s29 =	simm.s32 $0x9;
	_ =	strace $0x80000048  }
0xb5: {  	_ =	swait.ge [sflag:s29], $0x1  }
0xb6: {  	[sflag:s29] =	ssyncadd.s32 $0xFFFFFFFF  }
0xb7: {  	_ =	strace $0x90000048  }
0xb8: {  	_ =	sfence  }
0xb9: {  	s30 =	sld [smem:$0x0];
	_ =	sdelay $0x2  }
0xba: {  	s31 =	sshll.u32 s1, $0xD;
	s1 =	sshrl.u32 s1, $0x2  }
0xbb: {  	s3 =	sand.u32 $0x4000, s31;
	s1 =	sadd.s32 s1, s30  }
0xbc: {  	s0 =	sor.u32 s3, s0;
	s1 =	sshll.u32 s1, $0x11  }
0xbd: {  	s0 =	sor.u32 s1, s0  }
0xbe: {  	s0 =	sadd.s32 $0x8F2B, s0  }
0xbf: {  	[sflag:s0] =	ssyncadd.remote.s32 $0x1  }
0xc0: {  	_ =	sfence.sel $0xFFFF  }
0xc1: {  	[dreg:$0x0] =	wrdreg $0xFFFFFFFF;
	(pc) =	sbr.abs _section_cstart, $3  }
0xc2: {  	[dreg:$0x1] =	wrdreg $0xFFFFFFFF  }
0xc3: {  	_ =	task.clear_ibuf [dreg:s8], $0x2FFFF;
	_ =	strace $0x9FFFFFFF  }
0xc4: {  	(tm) =	ssettm $0x7FFFFFFF  }
0xc5: {  	_ =	shalt  }
tec
execute0_lowered:
.L_overlay_start_1:
0x0: {  	(tag) =	ssettag $0x1  }
0x1: {  	s0 =	rddreg [dreg:$0x0]  }
0x2: {  	s2 =	rddreg [dreg:$0x1];
	s1 =	srdreg.scid  }
0x3: {  	s4 =	stileid.u32;
	s3 =	rddreg [dreg:$0x2];
	s11 =	simm.s32 $0x9  }
0x4: {  	s12 =	simm.s32 $0x80;
	s13 =	simm.s32 $0x6400;
	s14 =	simm.s32 $0xA400  }
0x5: {  	s16 =	simm.s32 $0xE400;
	s18 =	simm.s32 $0x12400;
	s19 =	simm.s32 $0x1  }
0x6: {  	s20 =	simm.s32 $0x2;
	s21 =	simm.s32 $0x3;
	s22 =	simm.s32 $0x4  }
0x7: {  	s23 =	simm.s32 $0x5;
	s1 =	sand.u32 $0x1, s1;
	s5 =	sshll.u32 s4, $0x1  }
0x8: {  	s24 =	simm.s32 $0x6;
	s25 =	simm.s32 $0x7;
	s6 =	sor.u32 s1, s5  }
0x9: {  	s26 =	simm.s32 $0x8;
	s28 =	simm.s32 $0x0;
	s5 =	smul.u32 $0xC80, s6  }
.Ltmp0:
0xa: {  	s4 =	simm.s32 $0x0;
	s1 =	ssub.s32 $0x2, s1;
	(pc) =	sbr.rel .LBB2_1-.Ltmp0, $4  }
0xb: {  	[smem:$0x7FF] =	sst s4;
	s31 =	sshrl.u32 s1, $0x1;
	s9 =	smul.u32 $0x6400, s6  }
0xc: {  	_ =	strace $0x80000047;
	s6 =	smul.u32 $0x320000, s6;
	s1 =	ssub.s32 s1, s31  }
0xd: {  	s0 =	sadd.s32 s5, s0;
	s7 =	sor.u32 $0x80, s9;
	s8 =	sor.u32 $0x100, s9  }
0xe: {  	s9 =	sor.u32 $0x180, s9;
	s10 =	smax.u32 s1, $0x1;
	s5 =	sadd.s32 $0x400, s0  }
.LBB2_12:
0xf: {  	_ =	swait.ge [sflag:s23], $0x4000  }
0x10: {  	[sflag:s23] =	ssyncset.done $0x0  }
0x11: {  	[sflag:s23] =	ssyncadd.s32 $0xFFFFC000  }
0x12: {  	_ =	swait.ge [sflag:s24], $0x4000  }
0x13: {  	[sflag:s24] =	ssyncset.done $0x0  }
0x14: {  	s28 =	sadd.s32 $0x1, s28;
	[sflag:s24] =	ssyncadd.s32 $0xFFFFC000  }
0x15: {  	p0 =	sne.s32 s28, s10;
	_ =	swait.ge [sflag:s25], $0x4000  }
.Ltmp1:
0x16: {  	[sflag:s25] =	ssyncset.done $0x0;
	(pc) =	sbr.rel @!p0 .LBB2_13-.Ltmp1, $4  }
0x17: {  	[sflag:s25] =	ssyncadd.s32 $0xFFFFC000  }
0x18: {  	_ =	swait.ge [sflag:s26], $0x4000  }
0x19: {  	[sflag:s26] =	ssyncset.done $0x0  }
0x1a: {  	[sflag:s26] =	ssyncadd.s32 $0xFFFFC000  }
.LBB2_1:
0x1b: {  	[tilespmem:s4], [sflag:$0x9] =	stream.linear.gather [hbm4b:s5+s4], $0x6400, $0x38;
	[tilespmem:$0x16400] =	vst v63  }
0x1c: {  	_ =	swait.ge [sflag:s11], $0x6400  }
0x1d: {  	[sflag:s11] =	ssyncset.done $0x0  }
0x1e: {  	[sflag:s11] =	ssyncadd.s32 $0xFFFF9C00  }
0x1f: {  	[tilespmem:s13], [sflag:$0x1] =	stream.indirect.gather [hbm4b:s2+s12], $0x80, s4, s12, $0xb8;
	[tilespmem:$0x16400] =	vst v63  }
0x20: {  	_ = 	snop  }
0x21: {  	[tilespmem:s14], [sflag:$0x2] =	stream.indirect.gather [hbm4b:s2+s12], $0x80, s12, s12, $0xb8;
	[tilespmem:$0x16400] =	vst v63  }
0x22: {  	s0 =	simm.s32 $0x100  }
0x23: {  	[tilespmem:s16], [sflag:$0x3] =	stream.indirect.gather [hbm4b:s2+s12], $0x80, s0, s12, $0xb8;
	[tilespmem:$0x16400] =	vst v63  }
0x24: {  	s31 =	simm.s32 $0x180;
	s29 =	simm.s32 $0x0  }
0x25: {  	[tilespmem:s18], [sflag:$0x4] =	stream.indirect.gather [hbm4b:s2+s12], $0x80, s31, s12, $0xb8;
	[tilespmem:$0x16400] =	vst v63  }
.LBB2_2:
0x26: {  	_ =	swait.ge [sflag:s19], $0x4000  }
0x27: {  	[sflag:s19] =	ssyncset.done $0x0  }
0x28: {  	s1 =	simm.s32 $0x0;
	[sflag:s19] =	ssyncadd.s32 $0xFFFFC000  }
0x29: {  	v3 =	vld [tilespmem:s1+$0x6400]  }
0x2a: {  	v5 =	vld [tilespmem:s1+$0x6410]  }
0x2b: {  	v4 =	vld [tilespmem:s1+$0x6420]  }
0x2c: {  	v2 =	vld [tilespmem:s1+$0x6430]  }
0x2d: {  	v0 =	vld [tilespmem:s1+$0x6440]  }
0x2e: {  	v1 =	vld [tilespmem:s1+$0x6450];
	v6 =	vmul.f32 $1.131370830e+01, v3  }
0x2f: {  	s0 =	simm.s32 $0x200;
	v5 =	vmul.f32 $1.131370830e+01, v5;
	v3 =	vld [tilespmem:s1+$0x6460]  }
.LBB2_3:
0x30: {  	s15 =	sshra.s32 s0, $0x2;
	p0 =	sne.s32 s0, $0xFE00;
	[tilespmem:s1+$0x6400] =	vst v6;
	v4 =	vmul.f32 $1.131370830e+01, v4;
	v6 =	vld [tilespmem:s1+$0x6470]  }
0x31: {  	v7 =	vld [tilespmem:s15+$0x6400];
	[tilespmem:s1+$0x6410] =	vst v5;
	v2 =	vmul.f32 $1.131370830e+01, v2  }
0x32: {  	v5 =	vld [tilespmem:s15+$0x6410];
	[tilespmem:s1+$0x6420] =	vst v4;
	v0 =	vmul.f32 $1.131370830e+01, v0  }
.Ltmp2:
0x33: {  	v4 =	vld [tilespmem:s15+$0x6420];
	[tilespmem:s1+$0x6430] =	vst v2;
	v1 =	vmul.f32 $1.131370830e+01, v1;
	(pc) =	sbr.rel @p0 .LBB2_3-.Ltmp2, $4  }
0x34: {  	v2 =	vld [tilespmem:s15+$0x6430];
	[tilespmem:s1+$0x6440] =	vst v0;
	v3 =	vmul.f32 $1.131370830e+01, v3  }
0x35: {  	v0 =	vld [tilespmem:s15+$0x6440];
	[tilespmem:s1+$0x6450] =	vst v1;
	v8 =	vmul.f32 $1.131370830e+01, v6  }
0x36: {  	v6 =	vmul.f32 $1.131370830e+01, v7;
	v1 =	vld [tilespmem:s15+$0x6450];
	[tilespmem:s1+$0x6460] =	vst v3  }
0x37: {  	s0 =	sadd.s32 $0x200, s0;
	v5 =	vmul.f32 $1.131370830e+01, v5;
	v3 =	vld [tilespmem:s15+$0x6460];
	[tilespmem:s1+$0x6470] =	vst v8;
	s1 =	smov.u32 s15  }
0x38: {  	[tilespmem:s1+$0x6400] =	vst v6;
	v4 =	vmul.f32 $1.131370830e+01, v4;
	v6 =	vld [tilespmem:s1+$0x6470]  }
0x39: {  	[tilespmem:s1+$0x6410] =	vst v5;
	v2 =	vmul.f32 $1.131370830e+01, v2  }
0x3a: {  	[tilespmem:s1+$0x6420] =	vst v4;
	v0 =	vmul.f32 $1.131370830e+01, v0  }
0x3b: {  	[tilespmem:s1+$0x6430] =	vst v2;
	v1 =	vmul.f32 $1.131370830e+01, v1  }
0x3c: {  	s0 =	sshll.u32 s29, $0x10;
	[tilespmem:s1+$0x6440] =	vst v0;
	v0 =	vmul.f32 $1.131370830e+01, v3  }
0x3d: {  	s0 =	sadd.s32 s6, s0;
	[tilespmem:s1+$0x6450] =	vst v1;
	v1 =	vmul.f32 $1.131370830e+01, v6  }
0x3e: {  	s0 =	sshrl.u32 s0, $0x3;
	[tilespmem:s1+$0x6460] =	vst v0  }
0x3f: {  	p0 =	seq.s32 s29, $0x31;
	s0 =	sadd.s32 s3, s0;
	[tilespmem:s1+$0x6470] =	vst v1  }
0x40: {  	[hbm4b:s0+s4] =	stream.linear.scatter [tilespmem:s13], [sflag:$0x5], $0x4000, $0x38;
	[tilespmem:$0x16400] =	vst v63  }
0x41: {  	s0 =	simm.s32 @!p0 $0x5  }
0x42: {  	s30 =	sshll.u32 s29, $0xB;
	_ =	swait.ge @!p0 [sflag:s0], $0x4000  }
0x43: {  	s15 =	simm.s32 @!p0 $0x80;
	s1 =	sshrl.u32 @!p0 s30, $0x2;
	[sflag:s0] =	ssyncset.done @!p0 $0x0  }
0x44: {  	s31 =	simm.s32 @!p0 $0x6400;
	[sflag:s0] =	ssyncadd.s32 @!p0 $0xFFFFC000;
	s0 =	sadd.s32 @!p0 $0x200, s1  }
0x45: {  	[tilespmem:s31], [sflag:$0x1] =	stream.indirect.gather @!p0 [hbm4b:s2+s15], $0x80, s0, s15, $0xb8;
	[tilespmem:$0x16400] =	vst v63  }
0x46: {  	_ =	swait.ge [sflag:s20], $0x4000  }
0x47: {  	[sflag:s20] =	ssyncset.done $0x0  }
0x48: {  	s0 =	simm.s32 $0x0;
	[sflag:s20] =	ssyncadd.s32 $0xFFFFC000  }
0x49: {  	v3 =	vld [tilespmem:s0+$0xA400]  }
0x4a: {  	v5 =	vld [tilespmem:s0+$0xA410]  }
0x4b: {  	v4 =	vld [tilespmem:s0+$0xA420]  }
0x4c: {  	v2 =	vld [tilespmem:s0+$0xA430]  }
0x4d: {  	v0 =	vld [tilespmem:s0+$0xA440]  }
0x4e: {  	v1 =	vld [tilespmem:s0+$0xA450];
	v6 =	vmul.f32 $1.131370830e+01, v3  }
0x4f: {  	s31 =	simm.s32 $0x200;
	v5 =	vmul.f32 $1.131370830e+01, v5;
	v3 =	vld [tilespmem:s0+$0xA460]  }
.LBB2_5:
0x50: {  	s15 =	sshra.s32 s31, $0x2;
	p1 =	sne.s32 s31, $0xFE00;
	[tilespmem:s0+$0xA400] =	vst v6;
	v4 =	vmul.f32 $1.131370830e+01, v4;
	v6 =	vld [tilespmem:s0+$0xA470]  }
0x51: {  	v7 =	vld [tilespmem:s15+$0xA400];
	[tilespmem:s0+$0xA410] =	vst v5;
	v2 =	vmul.f32 $1.131370830e+01, v2  }
0x52: {  	v5 =	vld [tilespmem:s15+$0xA410];
	[tilespmem:s0+$0xA420] =	vst v4;
	v0 =	vmul.f32 $1.131370830e+01, v0  }
.Ltmp3:
0x53: {  	v4 =	vld [tilespmem:s15+$0xA420];
	[tilespmem:s0+$0xA430] =	vst v2;
	v1 =	vmul.f32 $1.131370830e+01, v1;
	(pc) =	sbr.rel @p1 .LBB2_5-.Ltmp3, $4  }
0x54: {  	v2 =	vld [tilespmem:s15+$0xA430];
	[tilespmem:s0+$0xA440] =	vst v0;
	v3 =	vmul.f32 $1.131370830e+01, v3  }
0x55: {  	v0 =	vld [tilespmem:s15+$0xA440];
	[tilespmem:s0+$0xA450] =	vst v1;
	v8 =	vmul.f32 $1.131370830e+01, v6  }
0x56: {  	v6 =	vmul.f32 $1.131370830e+01, v7;
	v1 =	vld [tilespmem:s15+$0xA450];
	[tilespmem:s0+$0xA460] =	vst v3  }
0x57: {  	s31 =	sadd.s32 $0x200, s31;
	v5 =	vmul.f32 $1.131370830e+01, v5;
	v3 =	vld [tilespmem:s15+$0xA460];
	[tilespmem:s0+$0xA470] =	vst v8;
	s0 =	smov.u32 s15  }
0x58: {  	[tilespmem:s0+$0xA400] =	vst v6;
	v4 =	vmul.f32 $1.131370830e+01, v4;
	v6 =	vld [tilespmem:s0+$0xA470]  }
0x59: {  	[tilespmem:s0+$0xA410] =	vst v5;
	v2 =	vmul.f32 $1.131370830e+01, v2  }
0x5a: {  	[tilespmem:s0+$0xA420] =	vst v4;
	v0 =	vmul.f32 $1.131370830e+01, v0  }
0x5b: {  	[tilespmem:s0+$0xA430] =	vst v2;
	v1 =	vmul.f32 $1.131370830e+01, v1  }
0x5c: {  	s31 =	sshll.u32 s29, $0x9;
	[tilespmem:s0+$0xA440] =	vst v0;
	v0 =	vmul.f32 $1.131370830e+01, v3  }
0x5d: {  	s15 =	sadd.s32 s31, s7;
	[tilespmem:s0+$0xA450] =	vst v1;
	v1 =	vmul.f32 $1.131370830e+01, v6  }
0x5e: {  	s15 =	sshll.u32 s15, $0x4;
	[tilespmem:s0+$0xA460] =	vst v0  }
0x5f: {  	s17 =	sadd.s32 s3, s15;
	[tilespmem:s0+$0xA470] =	vst v1;
	s0 =	simm.s32 @!p0 $0x6  }
0x60: {  	[hbm4b:s17+s4] =	stream.linear.scatter [tilespmem:s14], [sflag:$0x6], $0x4000, $0x38;
	[tilespmem:$0x16400] =	vst v63  }
0x61: {  	_ =	swait.ge @!p0 [sflag:s0], $0x4000  }
0x62: {  	s15 =	simm.s32 @!p0 $0x80;
	[sflag:s0] =	ssyncset.done @!p0 $0x0  }
0x63: {  	s17 =	simm.s32 @!p0 $0xA400;
	[sflag:s0] =	ssyncadd.s32 @!p0 $0xFFFFC000;
	s0 =	sadd.s32 @!p0 $0x280, s1  }
0x64: {  	[tilespmem:s17], [sflag:$0x2] =	stream.indirect.gather @!p0 [hbm4b:s2+s15], $0x80, s0, s15, $0xb8;
	[tilespmem:$0x16400] =	vst v63  }
0x65: {  	_ =	swait.ge [sflag:s21], $0x4000  }
0x66: {  	[sflag:s21] =	ssyncset.done $0x0  }
0x67: {  	s0 =	simm.s32 $0x0;
	[sflag:s21] =	ssyncadd.s32 $0xFFFFC000  }
0x68: {  	v3 =	vld [tilespmem:s0+$0xE400]  }
0x69: {  	v5 =	vld [tilespmem:s0+$0xE410]  }
0x6a: {  	v4 =	vld [tilespmem:s0+$0xE420]  }
0x6b: {  	v2 =	vld [tilespmem:s0+$0xE430]  }
0x6c: {  	v0 =	vld [tilespmem:s0+$0xE440]  }
0x6d: {  	v1 =	vld [tilespmem:s0+$0xE450];
	v6 =	vmul.f32 $1.131370830e+01, v3  }
0x6e: {  	s15 =	simm.s32 $0x200;
	v5 =	vmul.f32 $1.131370830e+01, v5;
	v3 =	vld [tilespmem:s0+$0xE460]  }
.LBB2_7:
0x6f: {  	s17 =	sshra.s32 s15, $0x2;
	p1 =	sne.s32 s15, $0xFE00;
	[tilespmem:s0+$0xE400] =	vst v6;
	v4 =	vmul.f32 $1.131370830e+01, v4;
	v6 =	vld [tilespmem:s0+$0xE470]  }
0x70: {  	v7 =	vld [tilespmem:s17+$0xE400];
	[tilespmem:s0+$0xE410] =	vst v5;
	v2 =	vmul.f32 $1.131370830e+01, v2  }
0x71: {  	v5 =	vld [tilespmem:s17+$0xE410];
	[tilespmem:s0+$0xE420] =	vst v4;
	v0 =	vmul.f32 $1.131370830e+01, v0  }
.Ltmp4:
0x72: {  	v4 =	vld [tilespmem:s17+$0xE420];
	[tilespmem:s0+$0xE430] =	vst v2;
	v1 =	vmul.f32 $1.131370830e+01, v1;
	(pc) =	sbr.rel @p1 .LBB2_7-.Ltmp4, $4  }
0x73: {  	v2 =	vld [tilespmem:s17+$0xE430];
	[tilespmem:s0+$0xE440] =	vst v0;
	v3 =	vmul.f32 $1.131370830e+01, v3  }
0x74: {  	v0 =	vld [tilespmem:s17+$0xE440];
	[tilespmem:s0+$0xE450] =	vst v1;
	v8 =	vmul.f32 $1.131370830e+01, v6  }
0x75: {  	v6 =	vmul.f32 $1.131370830e+01, v7;
	v1 =	vld [tilespmem:s17+$0xE450];
	[tilespmem:s0+$0xE460] =	vst v3  }
0x76: {  	s15 =	sadd.s32 $0x200, s15;
	v5 =	vmul.f32 $1.131370830e+01, v5;
	v3 =	vld [tilespmem:s17+$0xE460];
	[tilespmem:s0+$0xE470] =	vst v8;
	s0 =	smov.u32 s17  }
0x77: {  	[tilespmem:s0+$0xE400] =	vst v6;
	v4 =	vmul.f32 $1.131370830e+01, v4;
	v6 =	vld [tilespmem:s0+$0xE470]  }
0x78: {  	[tilespmem:s0+$0xE410] =	vst v5;
	v2 =	vmul.f32 $1.131370830e+01, v2  }
0x79: {  	[tilespmem:s0+$0xE420] =	vst v4;
	v0 =	vmul.f32 $1.131370830e+01, v0  }
0x7a: {  	[tilespmem:s0+$0xE430] =	vst v2;
	v1 =	vmul.f32 $1.131370830e+01, v1  }
0x7b: {  	[tilespmem:s0+$0xE440] =	vst v0;
	v0 =	vmul.f32 $1.131370830e+01, v3  }
0x7c: {  	s15 =	sadd.s32 s31, s8;
	[tilespmem:s0+$0xE450] =	vst v1;
	v1 =	vmul.f32 $1.131370830e+01, v6  }
0x7d: {  	s15 =	sshll.u32 s15, $0x4;
	[tilespmem:s0+$0xE460] =	vst v0  }
0x7e: {  	s17 =	sadd.s32 s3, s15;
	[tilespmem:s0+$0xE470] =	vst v1;
	s0 =	simm.s32 @!p0 $0x7  }
0x7f: {  	[hbm4b:s17+s4] =	stream.linear.scatter [tilespmem:s16], [sflag:$0x7], $0x4000, $0x38;
	[tilespmem:$0x16400] =	vst v63  }
0x80: {  	_ =	swait.ge @!p0 [sflag:s0], $0x4000  }
0x81: {  	s15 =	simm.s32 @!p0 $0xE400;
	[sflag:s0] =	ssyncset.done @!p0 $0x0  }
0x82: {  	[sflag:s0] =	ssyncadd.s32 @!p0 $0xFFFFC000;
	s0 =	sadd.s32 @!p0 $0x300, s1;
	s1 =	simm.s32 @!p0 $0x80  }
0x83: {  	[tilespmem:s15], [sflag:$0x3] =	stream.indirect.gather @!p0 [hbm4b:s2+s1], $0x80, s0, s1, $0xb8;
	[tilespmem:$0x16400] =	vst v63  }
0x84: {  	_ =	swait.ge [sflag:s22], $0x4000  }
0x85: {  	[sflag:s22] =	ssyncset.done $0x0  }
0x86: {  	s0 =	simm.s32 $0x0;
	[sflag:s22] =	ssyncadd.s32 $0xFFFFC000  }
0x87: {  	v3 =	vld [tilespmem:s0+$0x12400]  }
0x88: {  	v5 =	vld [tilespmem:s0+$0x12410]  }
0x89: {  	v4 =	vld [tilespmem:s0+$0x12420]  }
0x8a: {  	v2 =	vld [tilespmem:s0+$0x12430]  }
0x8b: {  	v0 =	vld [tilespmem:s0+$0x12440]  }
0x8c: {  	v1 =	vld [tilespmem:s0+$0x12450];
	v6 =	vmul.f32 $1.131370830e+01, v3  }
0x8d: {  	s1 =	simm.s32 $0x200;
	v5 =	vmul.f32 $1.131370830e+01, v5;
	v3 =	vld [tilespmem:s0+$0x12460]  }
.LBB2_9:
0x8e: {  	s15 =	sshra.s32 s1, $0x2;
	p1 =	sne.s32 s1, $0xFE00;
	[tilespmem:s0+$0x12400] =	vst v6;
	v4 =	vmul.f32 $1.131370830e+01, v4;
	v6 =	vld [tilespmem:s0+$0x12470]  }
0x8f: {  	v7 =	vld [tilespmem:s15+$0x12400];
	[tilespmem:s0+$0x12410] =	vst v5;
	v2 =	vmul.f32 $1.131370830e+01, v2  }
0x90: {  	v5 =	vld [tilespmem:s15+$0x12410];
	[tilespmem:s0+$0x12420] =	vst v4;
	v0 =	vmul.f32 $1.131370830e+01, v0  }
.Ltmp5:
0x91: {  	v4 =	vld [tilespmem:s15+$0x12420];
	[tilespmem:s0+$0x12430] =	vst v2;
	v1 =	vmul.f32 $1.131370830e+01, v1;
	(pc) =	sbr.rel @p1 .LBB2_9-.Ltmp5, $4  }
0x92: {  	v2 =	vld [tilespmem:s15+$0x12430];
	[tilespmem:s0+$0x12440] =	vst v0;
	v3 =	vmul.f32 $1.131370830e+01, v3  }
0x93: {  	v0 =	vld [tilespmem:s15+$0x12440];
	[tilespmem:s0+$0x12450] =	vst v1;
	v8 =	vmul.f32 $1.131370830e+01, v6  }
0x94: {  	v6 =	vmul.f32 $1.131370830e+01, v7;
	v1 =	vld [tilespmem:s15+$0x12450];
	[tilespmem:s0+$0x12460] =	vst v3  }
0x95: {  	s1 =	sadd.s32 $0x200, s1;
	v5 =	vmul.f32 $1.131370830e+01, v5;
	v3 =	vld [tilespmem:s15+$0x12460];
	[tilespmem:s0+$0x12470] =	vst v8;
	s0 =	smov.u32 s15  }
0x96: {  	[tilespmem:s0+$0x12400] =	vst v6;
	v4 =	vmul.f32 $1.131370830e+01, v4;
	v61 =	vld [tilespmem:s0+$0x12470]  }
0x97: {  	[tilespmem:s0+$0x12410] =	vst v5;
	v2 =	vmul.f32 $1.131370830e+01, v2  }
0x98: {  	[tilespmem:s0+$0x12420] =	vst v4;
	v0 =	vmul.f32 $1.131370830e+01, v0  }
0x99: {  	[tilespmem:s0+$0x12430] =	vst v2;
	v1 =	vmul.f32 $1.131370830e+01, v1  }
.Ltmp6:
0x9a: {  	[tilespmem:s0+$0x12440] =	vst v0;
	v62 =	vmul.f32 $1.131370830e+01, v3;
	(pc) =	sbr.rel @p0 .LBB2_12-.Ltmp6, $4  }
0x9b: {  	s1 =	sadd.s32 s31, s9;
	[tilespmem:s0+$0x12450] =	vst v1;
	v63 =	vmul.f32 $1.131370830e+01, v61  }
0x9c: {  	s1 =	sshll.u32 s1, $0x4;
	[tilespmem:s0+$0x12460] =	vst v62  }
0x9d: {  	s31 =	sadd.s32 s3, s1;
	[tilespmem:s0+$0x12470] =	vst v63  }
0x9e: {  	[hbm4b:s31+s4] =	stream.linear.scatter [tilespmem:s18], [sflag:$0x8], $0x4000, $0x38;
	[tilespmem:$0x16400] =	vst v63  }
.Ltmp7:
0x9f: {  	(pc) =	sbr.rel .LBB2_2-.Ltmp7, $4  }
0xa0: {  	_ =	swait.ge [sflag:s26], $0x4000  }
0xa1: {  	s0 =	sshrl.u32 s30, $0x2;
	[sflag:s26] =	ssyncset.done $0x0  }
0xa2: {  	s29 =	sadd.s32 $0x1, s29;
	s0 =	sadd.s32 $0x380, s0;
	[sflag:s26] =	ssyncadd.s32 $0xFFFFC000  }
0xa3: {  	[tilespmem:s18], [sflag:$0x4] =	stream.indirect.gather [hbm4b:s2+s12], $0x80, s0, s12, $0xb8;
	[tilespmem:$0x16400] =	vst v63  }
.LBB2_13:
0xa4: {  	_ =	sfence.sel $0x180000  }
0xa5: {  	[bflag:$0x0] =	sbarrier.arrive $0xFFFF  }
0xa6: {  	_ =	strace $0x90000047  }
0xa7: {  	s0 =	stileid.u32;
	[bflag:$0x2] =	sbarrier.arrive $0xFFFF  }
0xa8: {  	p0 =	sne.s32 s0, $0x0;
	s0 =	rddreg [dreg:$0x3]  }
0xa9: {  	s0 =	sadd.s32 @!p0 $0x100000, s0  }
0xaa: {  	[sflag:s0] =	ssyncadd.tile.s32 @!p0 $0x1;
	_ =	shalt  }
.Lfunc_end2:
_tile_overlayer_lowered:
.L_overlay_start_2:
0xab: {  	(tag) =	ssettag $0x2  }
0xac: {  	s0 =	rddreg [dreg:$0x0];
	s2 =	stileid.u32  }
0xad: {  	s1 =	rddreg [dreg:$0x1];
	p0 =	sne.s32 s2, $0x0  }
0xae: {  	s3 =	rddreg [dreg:$0x2];
	[bflag:$0x3] =	sbarrier.arrive $0xFFFF;
	s2 =	simm.s32 @!p0 $0x1C09  }
0xaf: {  	[timem:s3], [sflag:s2] =	dma.local @!p0 [hbm:s0], s1  }
0xb0: {  	s0 =	simm.s32 @!p0 $0x9  }
0xb1: {  	_ =	swait.ge @!p0 [sflag:s0], s1  }
0xb2: {  	s1 =	ssub.s32 @!p0 $0x0, s1;
	[sflag:s0] =	ssyncset.done @!p0 $0x0  }
0xb3: {  	[sflag:s0] =	ssyncadd.s32 @!p0 s1  }
0xb4: {  	[bflag:$0x3] =	sbarrier.arrive $0xFFFF  }
0xb5: {  	_ =	shalt  }

</sc_bundles>
